<compile_context>
chip_gen: v7x
topology: tpu7x:2x2x1
jax: 0.10.2.dev20260603
libtpu: 0.0.44.dev20260713+nightly
codegen_flags: <defaults>
</compile_context>

<pallas_src>
import functools

import jax
import jax.numpy as jnp
from jax import lax
from jax.experimental import pallas as pl
from jax.experimental.pallas import tpu as pltpu
from jax.experimental.pallas import tpu_sc as plsc

_NC = 2
_NS = 16
_NW = _NC * _NS
_CH = 80


@functools.lru_cache(maxsize=None)
def _sc_agg(n_nodes: int, n_edges: int, feat: int, n_pad: int, with_deg: bool):
    epw = n_edges // _NW
    rpt = n_pad // _NS
    nch = epw // _CH
    assert epw * _NW == n_edges and nch * _CH == epw
    assert rpt * _NS == n_pad and rpt % 8 == 0

    mesh = plsc.VectorSubcoreMesh(core_axis_name="c", subcore_axis_name="s")
    out_type = [jax.ShapeDtypeStruct((_NC, n_pad, feat), jnp.float32)]
    if with_deg:
        out_type.append(jax.ShapeDtypeStruct((_NC * n_pad,), jnp.float32))

    nbuf = 2
    nmain = (nch // nbuf) * nbuf
    scratch_types = [
        pltpu.VMEM((epw,), jnp.int32),
        pltpu.VMEM((nch, _CH), jnp.int32),
    ] + [pltpu.VMEM((_CH, feat), jnp.float32)] * nbuf + [
        pltpu.VMEM((_CH,), jnp.float32),
    ] + [pltpu.SemaphoreType.DMA] * (3 * nbuf) + [
        pltpu.VMEM_SHARED((n_pad, feat), jnp.float32),
        pltpu.VMEM_SHARED((n_pad,), jnp.float32),
    ]

    @functools.partial(pl.kernel, mesh=mesh, out_type=out_type,
                       scratch_types=scratch_types)
    def agg(x_hbm, src_hbm, dst3_hbm, *refs):
        if with_deg:
            out_hbm, deg_hbm = refs[0], refs[1]
            refs = refs[2:]
        else:
            out_hbm, deg_hbm = refs[0], None
            refs = refs[1:]
        srcbuf, dstbuf = refs[:2]
        rows = refs[2:2 + nbuf]
        ones = refs[2 + nbuf]
        base = 3 + nbuf
        semg = refs[base:base + nbuf]
        sems = refs[base + nbuf:base + 2 * nbuf]
        semd = refs[base + 2 * nbuf:base + 3 * nbuf]
        acc, dacc = refs[base + 3 * nbuf:]

        c = lax.axis_index("c")
        s = lax.axis_index("s")
        wid = c * _NS + s

        hs = pltpu.async_copy(src_hbm.at[pl.ds(wid * epw, epw)], srcbuf,
                              semg[1])
        hd0 = pltpu.async_copy(dst3_hbm.at[wid], dstbuf, sems[0])

        @pl.loop(0, _CH)
        def _zrow(r):
            for c5 in range(feat // 16):
                rows[0][r, pl.ds(c5 * 16, 16)] = jnp.zeros((16,), jnp.float32)

        @pl.loop(0, rpt, step=_CH)
        def _zacc(j):
            pltpu.sync_copy(rows[0], acc.at[pl.ds(s * rpt + j, _CH)])

        if with_deg:
            @pl.loop(0, rpt, step=feat)
            def _zdeg(j):
                pltpu.sync_copy(rows[0].at[0],
                                dacc.at[pl.ds(s * rpt + j, feat)])

            @pl.loop(0, _CH, step=16)
            def _fill(i):
                ones[pl.ds(i, 16)] = jnp.ones((16,), jnp.float32)

        hs.wait()
        hd0.wait()
        plsc.subcore_barrier()

        def gather(ci, k):
            pltpu.async_copy(x_hbm.at[srcbuf.at[pl.ds(ci * _CH, _CH)]],
                             rows[k], semg[k])

        def wait_gather(k):
            pltpu.make_async_copy(x_hbm.at[pl.ds(0, _CH)], rows[k],
                                  semg[k]).wait()

        for k in range(min(nbuf, nch)):
            gather(k, k)

        @pl.loop(0, nch, step=nbuf)
        def _group(c0):
            for k in range(nbuf):
                @pl.when(c0 + k < nch)
                def _(k=k):
                    wait_gather(k)
                    h = pltpu.async_copy(rows[k], acc.at[dstbuf.at[c0 + k]],
                                         sems[k], add=True)
                    hd = None
                    if with_deg:
                        hd = pltpu.async_copy(ones, dacc.at[dstbuf.at[c0 + k]],
                                              semd[k], add=True)
                    h.wait()
                    if hd is not None:
                        hd.wait()

                    @pl.when(c0 + nbuf + k < nch)
                    def _():
                        gather(c0 + nbuf + k, k)

        plsc.subcore_barrier()

        ho = pltpu.async_copy(acc.at[pl.ds(s * rpt, rpt)],
                              out_hbm.at[c, pl.ds(s * rpt, rpt)], semg[0])
        if with_deg:
            pltpu.sync_copy(dacc.at[pl.ds(s * rpt, rpt)],
                            deg_hbm.at[pl.ds(c * n_pad + s * rpt, rpt)])
        ho.wait()

    return agg


@functools.lru_cache(maxsize=None)
def _tc_layer(n_nodes: int, n_pad: int, feat: int, out_feat: int, act: str):
    rblk = 2000
    assert n_nodes % rblk == 0

    def body(p_ref, dg_ref, x_ref, wl_ref, b_ref, wr_ref, o_ref):
        agg = p_ref[0] + p_ref[1]
        deg = dg_ref[0] + dg_ref[1]
        dinv = 1.0 / jnp.maximum(deg, 1.0)
        mean = agg * dinv
        y = jnp.dot(mean, wl_ref[...], preferred_element_type=jnp.float32)
        y = y + jnp.dot(x_ref[...], wr_ref[...],
                        preferred_element_type=jnp.float32)
        y = y + b_ref[...]
        if act == "relu":
            o_ref[...] = jnp.maximum(y, 0.0)
        else:
            m = jnp.max(y, axis=1, keepdims=True)
            lse = jnp.log(jnp.sum(jnp.exp(y - m), axis=1, keepdims=True)) + m
            o_ref[...] = y - lse

    return pl.pallas_call(
        body,
        grid=(n_nodes // rblk,),
        in_specs=[
            pl.BlockSpec((_NC, rblk, feat), lambda i: (0, i, 0)),
            pl.BlockSpec((_NC, rblk, 1), lambda i: (0, i, 0)),
            pl.BlockSpec((rblk, feat), lambda i: (i, 0)),
            pl.BlockSpec((feat, out_feat), lambda i: (0, 0)),
            pl.BlockSpec((1, out_feat), lambda i: (0, 0)),
            pl.BlockSpec((feat, out_feat), lambda i: (0, 0)),
        ],
        out_specs=pl.BlockSpec((rblk, out_feat), lambda i: (i, 0)),
        out_shape=jax.ShapeDtypeStruct((n_nodes, out_feat), jnp.float32),
    )


def kernel(x, edge_index, W1_l, b1, W1_r, W2_l, b2, W2_r):
    n, d = x.shape
    e = edge_index.shape[1]
    h = W1_l.shape[1]
    o = W2_l.shape[1]
    n_pad = 10240

    src = edge_index[0]
    dst = edge_index[1].reshape(_NW, (e // _NW) // _CH, _CH)
    p1, dg = _sc_agg(n, e, d, n_pad, True)(x, src, dst)
    dg3 = dg.reshape(_NC, n_pad, 1)
    hid = _tc_layer(n, n_pad, d, h, "relu")(
        p1, dg3, x, W1_l, b1.reshape(1, h), W1_r)
    (p2,) = _sc_agg(n, e, h, n_pad, False)(hid, src, dst)
    out = _tc_layer(n, n_pad, h, o, "ls")(
        p2, dg3, hid, W2_l, b2.reshape(1, o), W2_r)
    return out

# --- scband reference (transcript-rebuilt; emitter-appended) ---
"""Pipeline reference for scband-graph-sage-62612033241324 (READ-ONLY COPY).

The authoritative reference and input builder live on the scoring server;
editing this copy changes nothing except your own understanding.
"""

import jax, jax.numpy as jnp
import numpy as np

N = 10000
E = 320000
D = 128
H = 128
O = 128


def setup_inputs(seed: int = 0) -> dict:
    key = jax.random.key(seed)
    ks = jax.random.split(key, 8)
    x = jax.random.normal(ks[0], (N, D), dtype=jnp.float32)
    edge_index = jax.random.randint(ks[1], (2, E), 0, N, dtype=jnp.int32)
    # SAGEConv layer 1: lin_l (on aggregated neighbors, with bias), lin_r (on root, no bias)
    W1_l = jax.random.normal(ks[2], (D, H), dtype=jnp.float32) / np.sqrt(D)
    b1 = jnp.zeros((H,), dtype=jnp.float32)
    W1_r = jax.random.normal(ks[3], (D, H), dtype=jnp.float32) / np.sqrt(D)
    # SAGEConv layer 2
    W2_l = jax.random.normal(ks[4], (H, O), dtype=jnp.float32) / np.sqrt(H)
    b2 = jnp.zeros((O,), dtype=jnp.float32)
    W2_r = jax.random.normal(ks[5], (H, O), dtype=jnp.float32) / np.sqrt(H)
    return {"x": x, "edge_index": edge_index, "W1_l": W1_l, "b1": b1, "W1_r": W1_r,
            "W2_l": W2_l, "b2": b2, "W2_r": W2_r}


def _sage_conv(x, edge_index, W_l, b, W_r):
    src = edge_index[0]
    dst = edge_index[1]
    msgs = jnp.take(x, src, axis=0)
    agg = jax.ops.segment_sum(msgs, dst, num_segments=N)
    deg = jax.ops.segment_sum(jnp.ones((edge_index.shape[1],), dtype=x.dtype), dst,
                              num_segments=N)
    mean = agg / jnp.clip(deg, 1.0)[:, None]
    return mean @ W_l + b + x @ W_r


def reference(x, edge_index, W1_l, b1, W1_r, W2_l, b2, W2_r):
    # layer 1 + relu (dropout is identity in eval mode)
    h = jax.nn.relu(_sage_conv(x, edge_index, W1_l, b1, W1_r))
    # layer 2
    out = _sage_conv(h, edge_index, W2_l, b2, W2_r)
    return jax.nn.log_softmax(out, axis=1)

if __name__ == "__main__":
    import jax
    _d = setup_inputs()
    print(jax.jit(kernel)(*tuple(_d.values())))

</pallas_src>

<mosaic_0001>
#map = affine_map<(d0, d1) -> (0, 0)>
#map1 = affine_map<(d0, d1) -> (0)>
#map2 = affine_map<(d0, d1) -> (0, 0, 0)>
module attributes {stable_mosaic.version = 14 : i64} {
  func.func @agg(%arg0: i32, %arg1: i32, %arg2: memref<10000x128xf32, #tpu.memory_space<hbm>>, %arg3: memref<320000xi32, #tpu.memory_space<hbm>>, %arg4: memref<32x125x80xi32, #tpu.memory_space<hbm>>, %arg5: memref<2x10240x128xf32, #tpu.memory_space<hbm>>, %arg6: memref<10000xi32, #tpu.memory_space<vmem>>, %arg7: memref<125x80xi32, #tpu.memory_space<vmem>>, %arg8: memref<80x128xf32, #tpu.memory_space<vmem>>, %arg9: memref<80x128xf32, #tpu.memory_space<vmem>>, %arg10: memref<80xf32, #tpu.memory_space<vmem>>, %arg11: memref<!tpu.dma_semaphore, #tpu.memory_space<semaphore_mem>>, %arg12: memref<!tpu.dma_semaphore, #tpu.memory_space<semaphore_mem>>, %arg13: memref<!tpu.dma_semaphore, #tpu.memory_space<semaphore_mem>>, %arg14: memref<!tpu.dma_semaphore, #tpu.memory_space<semaphore_mem>>, %arg15: memref<!tpu.dma_semaphore, #tpu.memory_space<semaphore_mem>>, %arg16: memref<!tpu.dma_semaphore, #tpu.memory_space<semaphore_mem>>, %arg17: memref<10240x128xf32, #tpu.memory_space<vmem_shared>>, %arg18: memref<10240xf32, #tpu.memory_space<vmem_shared>>) attributes {dimension_semantics = [#tpu.dimension_semantics<core_parallel>, #tpu.dimension_semantics<subcore_parallel>], iteration_bounds = array<i64: 2, 16>, scalar_prefetch = 0 : i64, scratch_operands = 13 : i64, tpu.core_type = #tpu.core_type<sc_vector_subcore>, window_params = [{transform_indices = #map}, {transform_indices = #map1}, {transform_indices = #map2}, {transform_indices = #map2}]} {
    %mul3A = arith.constant 16 : i32
    %mul3A_0 = arith.muli %arg0, %mul3A : i32
    %add3A = arith.addi %mul3A_0, %arg1 : i32
    %mul3A_1 = arith.constant 10000 : i32
    %mul3A_2 = arith.muli %add3A, %mul3A_1 : i32
    %dma_start3A = tpu.memref_slice %arg3[%mul3A_2] : memref<320000xi32, #tpu.memory_space<hbm>> -> memref<10000xi32, #tpu.memory_space<hbm>>
    %dma_start3A_3 = tpu.memref_slice %arg3[%mul3A_2] : memref<320000xi32, #tpu.memory_space<hbm>> -> memref<10000xi32, #tpu.memory_space<hbm>>
    tpu.enqueue_dma source(%dma_start3A_3 : memref<10000xi32, #tpu.memory_space<hbm>>) target(%arg6 : memref<10000xi32, #tpu.memory_space<vmem>>) target_semaphore(%arg12 : memref<!tpu.dma_semaphore, #tpu.memory_space<semaphore_mem>>)
    %dma_start3A_4 = arith.constant 0 : i32
    %dma_start3A_5 = arith.constant 0 : i32
    %dma_start3A_6 = tpu.memref_slice %arg4[%add3A, %dma_start3A_4, %dma_start3A_5] : memref<32x125x80xi32, #tpu.memory_space<hbm>> -> memref<1x125x80xi32, #tpu.memory_space<hbm>>
    %dma_start3A_7 = tpu.memref_squeeze %dma_start3A_6 : memref<1x125x80xi32, #tpu.memory_space<hbm>> -> memref<125x80xi32, #tpu.memory_space<hbm>>
    %dma_start3A_8 = arith.constant 0 : i32
    %dma_start3A_9 = arith.constant 0 : i32
    %dma_start3A_10 = tpu.memref_slice %arg4[%add3A, %dma_start3A_8, %dma_start3A_9] : memref<32x125x80xi32, #tpu.memory_space<hbm>> -> memref<1x125x80xi32, #tpu.memory_space<hbm>>
    %dma_start3A_11 = tpu.memref_squeeze %dma_start3A_10 : memref<1x125x80xi32, #tpu.memory_space<hbm>> -> memref<125x80xi32, #tpu.memory_space<hbm>>
    tpu.enqueue_dma source(%dma_start3A_11 : memref<125x80xi32, #tpu.memory_space<hbm>>) target(%arg7 : memref<125x80xi32, #tpu.memory_space<vmem>>) target_semaphore(%arg13 : memref<!tpu.dma_semaphore, #tpu.memory_space<semaphore_mem>>)
    %scan3A = arith.constant 0 : i32
    %scan3A_12 = arith.constant 80 : i32
    %scan3A_13 = arith.addi %scan3A, %scan3A_12 : i32
    %scan3A_14 = arith.constant 1 : i32
    scf.for %scan3A_60 = %scan3A to %scan3A_13 step %scan3A_14  : i32 {
      %mul3A_61 = arith.constant 1 : i32
      %mul3A_62 = arith.muli %scan3A_60, %mul3A_61 : i32
      %add3A_63 = arith.constant 0 : i32
      %add3A_64 = arith.addi %add3A_63, %mul3A_62 : i32
      %broadcast_in_dim3A = arith.constant 0.000000e+00 : f32
      %broadcast_in_dim3A_65 = vector.broadcast %broadcast_in_dim3A : f32 to vector<16xf32>
      %swap3A = arith.index_cast %add3A_64 : i32 to index
      %swap3A_66 = arith.constant 0 : index
      %swap3A_67 = tpu.vector_load %arg8[%swap3A, %swap3A_66] {strides = array<i32>} : memref<80x128xf32, #tpu.memory_space<vmem>>, vector<1x16xf32>,
      %swap3A_68 = vector.shape_cast %swap3A_67 : vector<1x16xf32> to vector<16xf32>
      %swap3A_69 = vector.shape_cast %broadcast_in_dim3A_65 : vector<16xf32> to vector<1x16xf32>
      tpu.vector_store %arg8[%swap3A, %swap3A_66], %swap3A_69 {strides = array<i32>} : memref<80x128xf32, #tpu.memory_space<vmem>>, vector<1x16xf32>,
      %broadcast_in_dim3A_70 = arith.constant 0.000000e+00 : f32
      %broadcast_in_dim3A_71 = vector.broadcast %broadcast_in_dim3A_70 : f32 to vector<16xf32>
      %swap3A_72 = arith.index_cast %add3A_64 : i32 to index
      %swap3A_73 = arith.constant 16 : index
      %swap3A_74 = tpu.vector_load %arg8[%swap3A_72, %swap3A_73] {strides = array<i32>} : memref<80x128xf32, #tpu.memory_space<vmem>>, vector<1x16xf32>,
      %swap3A_75 = vector.shape_cast %swap3A_74 : vector<1x16xf32> to vector<16xf32>
      %swap3A_76 = vector.shape_cast %broadcast_in_dim3A_71 : vector<16xf32> to vector<1x16xf32>
      tpu.vector_store %arg8[%swap3A_72, %swap3A_73], %swap3A_76 {strides = array<i32>} : memref<80x128xf32, #tpu.memory_space<vmem>>, vector<1x16xf32>,
      %broadcast_in_dim3A_77 = arith.constant 0.000000e+00 : f32
      %broadcast_in_dim3A_78 = vector.broadcast %broadcast_in_dim3A_77 : f32 to vector<16xf32>
      %swap3A_79 = arith.index_cast %add3A_64 : i32 to index
      %swap3A_80 = arith.constant 32 : index
      %swap3A_81 = tpu.vector_load %arg8[%swap3A_79, %swap3A_80] {strides = array<i32>} : memref<80x128xf32, #tpu.memory_space<vmem>>, vector<1x16xf32>,
      %swap3A_82 = vector.shape_cast %swap3A_81 : vector<1x16xf32> to vector<16xf32>
      %swap3A_83 = vector.shape_cast %broadcast_in_dim3A_78 : vector<16xf32> to vector<1x16xf32>
      tpu.vector_store %arg8[%swap3A_79, %swap3A_80], %swap3A_83 {strides = array<i32>} : memref<80x128xf32, #tpu.memory_space<vmem>>, vector<1x16xf32>,
      %broadcast_in_dim3A_84 = arith.constant 0.000000e+00 : f32
      %broadcast_in_dim3A_85 = vector.broadcast %broadcast_in_dim3A_84 : f32 to vector<16xf32>
      %swap3A_86 = arith.index_cast %add3A_64 : i32 to index
      %swap3A_87 = arith.constant 48 : index
      %swap3A_88 = tpu.vector_load %arg8[%swap3A_86, %swap3A_87] {strides = array<i32>} : memref<80x128xf32, #tpu.memory_space<vmem>>, vector<1x16xf32>,
      %swap3A_89 = vector.shape_cast %swap3A_88 : vector<1x16xf32> to vector<16xf32>
      %swap3A_90 = vector.shape_cast %broadcast_in_dim3A_85 : vector<16xf32> to vector<1x16xf32>
      tpu.vector_store %arg8[%swap3A_86, %swap3A_87], %swap3A_90 {strides = array<i32>} : memref<80x128xf32, #tpu.memory_space<vmem>>, vector<1x16xf32>,
      %broadcast_in_dim3A_91 = arith.constant 0.000000e+00 : f32
      %broadcast_in_dim3A_92 = vector.broadcast %broadcast_in_dim3A_91 : f32 to vector<16xf32>
      %swap3A_93 = arith.index_cast %add3A_64 : i32 to index
      %swap3A_94 = arith.constant 64 : index
      %swap3A_95 = tpu.vector_load %arg8[%swap3A_93, %swap3A_94] {strides = array<i32>} : memref<80x128xf32, #tpu.memory_space<vmem>>, vector<1x16xf32>,
      %swap3A_96 = vector.shape_cast %swap3A_95 : vector<1x16xf32> to vector<16xf32>
      %swap3A_97 = vector.shape_cast %broadcast_in_dim3A_92 : vector<16xf32> to vector<1x16xf32>
      tpu.vector_store %arg8[%swap3A_93, %swap3A_94], %swap3A_97 {strides = array<i32>} : memref<80x128xf32, #tpu.memory_space<vmem>>, vector<1x16xf32>,
      %broadcast_in_dim3A_98 = arith.constant 0.000000e+00 : f32
      %broadcast_in_dim3A_99 = vector.broadcast %broadcast_in_dim3A_98 : f32 to vector<16xf32>
      %swap3A_100 = arith.index_cast %add3A_64 : i32 to index
      %swap3A_101 = arith.constant 80 : index
      %swap3A_102 = tpu.vector_load %arg8[%swap3A_100, %swap3A_101] {strides = array<i32>} : memref<80x128xf32, #tpu.memory_space<vmem>>, vector<1x16xf32>,
      %swap3A_103 = vector.shape_cast %swap3A_102 : vector<1x16xf32> to vector<16xf32>
      %swap3A_104 = vector.shape_cast %broadcast_in_dim3A_99 : vector<16xf32> to vector<1x16xf32>
      tpu.vector_store %arg8[%swap3A_100, %swap3A_101], %swap3A_104 {strides = array<i32>} : memref<80x128xf32, #tpu.memory_space<vmem>>, vector<1x16xf32>,
      %broadcast_in_dim3A_105 = arith.constant 0.000000e+00 : f32
      %broadcast_in_dim3A_106 = vector.broadcast %broadcast_in_dim3A_105 : f32 to vector<16xf32>
      %swap3A_107 = arith.index_cast %add3A_64 : i32 to index
      %swap3A_108 = arith.constant 96 : index
      %swap3A_109 = tpu.vector_load %arg8[%swap3A_107, %swap3A_108] {strides = array<i32>} : memref<80x128xf32, #tpu.memory_space<vmem>>, vector<1x16xf32>,
      %swap3A_110 = vector.shape_cast %swap3A_109 : vector<1x16xf32> to vector<16xf32>
      %swap3A_111 = vector.shape_cast %broadcast_in_dim3A_106 : vector<16xf32> to vector<1x16xf32>
      tpu.vector_store %arg8[%swap3A_107, %swap3A_108], %swap3A_111 {strides = array<i32>} : memref<80x128xf32, #tpu.memory_space<vmem>>, vector<1x16xf32>,
      %broadcast_in_dim3A_112 = arith.constant 0.000000e+00 : f32
      %broadcast_in_dim3A_113 = vector.broadcast %broadcast_in_dim3A_112 : f32 to vector<16xf32>
      %swap3A_114 = arith.index_cast %add3A_64 : i32 to index
      %swap3A_115 = arith.constant 112 : index
      %swap3A_116 = tpu.vector_load %arg8[%swap3A_114, %swap3A_115] {strides = array<i32>} : memref<80x128xf32, #tpu.memory_space<vmem>>, vector<1x16xf32>,
      %swap3A_117 = vector.shape_cast %swap3A_116 : vector<1x16xf32> to vector<16xf32>
      %swap3A_118 = vector.shape_cast %broadcast_in_dim3A_113 : vector<16xf32> to vector<1x16xf32>
      tpu.vector_store %arg8[%swap3A_114, %swap3A_115], %swap3A_118 {strides = array<i32>} : memref<80x128xf32, #tpu.memory_space<vmem>>, vector<1x16xf32>,
    }
    %scan3A_15 = arith.constant 80 : i32
    %scan3A_16 = arith.constant 0 : i32
    %scan3A_17 = arith.constant 8 : i32
    %scan3A_18 = arith.addi %scan3A_16, %scan3A_17 : i32
    %scan3A_19 = arith.constant 1 : i32
    scf.for %scan3A_60 = %scan3A_16 to %scan3A_18 step %scan3A_19  : i32 {
      %mul3A_61 = arith.constant 80 : i32
      %mul3A_62 = arith.muli %scan3A_60, %mul3A_61 : i32
      %add3A_63 = arith.constant 0 : i32
      %add3A_64 = arith.addi %add3A_63, %mul3A_62 : i32
      %mul3A_65 = arith.constant 640 : i32
      %mul3A_66 = arith.muli %arg1, %mul3A_65 : i32
      %add3A_67 = arith.addi %mul3A_66, %add3A_64 : i32
      "tpu.region"() ({
        %run_scoped3A = tpu.sem_alloc : memref<!tpu.dma_semaphore, #tpu.memory_space<semaphore_mem>>
        %dma_start3A_68 = arith.constant 0 : i32
        %dma_start3A_69 = tpu.memref_slice %arg17[%add3A_67, %dma_start3A_68] : memref<10240x128xf32, #tpu.memory_space<vmem_shared>> -> memref<80x128xf32, #tpu.memory_space<vmem_shared>>
        %dma_start3A_70 = arith.constant 0 : i32
        %dma_start3A_71 = tpu.memref_slice %arg17[%add3A_67, %dma_start3A_70] : memref<10240x128xf32, #tpu.memory_space<vmem_shared>> -> memref<80x128xf32, #tpu.memory_space<vmem_shared>>
        tpu.enqueue_dma source(%arg8 : memref<80x128xf32, #tpu.memory_space<vmem>>) target(%dma_start3A_71 : memref<80x128xf32, #tpu.memory_space<vmem_shared>>) target_semaphore(%run_scoped3A : memref<!tpu.dma_semaphore, #tpu.memory_space<semaphore_mem>>)
        %dma_wait3A_72 = arith.constant 0 : i32
        %dma_wait3A_73 = tpu.memref_slice %arg17[%add3A_67, %dma_wait3A_72] : memref<10240x128xf32, #tpu.memory_space<vmem_shared>> -> memref<80x128xf32, #tpu.memory_space<vmem_shared>>
        %dma_wait3A_74 = arith.constant 0 : i32
        %dma_wait3A_75 = tpu.memref_slice %arg17[%add3A_67, %dma_wait3A_74] : memref<10240x128xf32, #tpu.memory_space<vmem_shared>> -> memref<80x128xf32, #tpu.memory_space<vmem_shared>>
        tpu.wait_dma2 semaphore(%run_scoped3A : memref<!tpu.dma_semaphore, #tpu.memory_space<semaphore_mem>>) src(%arg8 : memref<80x128xf32, #tpu.memory_space<vmem>>) dst(%dma_wait3A_75 : memref<80x128xf32, #tpu.memory_space<vmem_shared>>)
        tpu.yield
      }) : () -> ()
    }
    %scan3A_20 = arith.constant 8 : i32
    %dma_wait3A = tpu.memref_slice %arg3[%mul3A_2] : memref<320000xi32, #tpu.memory_space<hbm>> -> memref<10000xi32, #tpu.memory_space<hbm>>
    %dma_wait3A_21 = tpu.memref_slice %arg3[%mul3A_2] : memref<320000xi32, #tpu.memory_space<hbm>> -> memref<10000xi32, #tpu.memory_space<hbm>>
    tpu.wait_dma2 semaphore(%arg12 : memref<!tpu.dma_semaphore, #tpu.memory_space<semaphore_mem>>) src(%dma_wait3A_21 : memref<10000xi32, #tpu.memory_space<hbm>>) dst(%arg6 : memref<10000xi32, #tpu.memory_space<vmem>>)
    %dma_wait3A_22 = arith.constant 0 : i32
    %dma_wait3A_23 = arith.constant 0 : i32
    %dma_wait3A_24 = tpu.memref_slice %arg4[%add3A, %dma_wait3A_22, %dma_wait3A_23] : memref<32x125x80xi32, #tpu.memory_space<hbm>> -> memref<1x125x80xi32, #tpu.memory_space<hbm>>
    %dma_wait3A_25 = tpu.memref_squeeze %dma_wait3A_24 : memref<1x125x80xi32, #tpu.memory_space<hbm>> -> memref<125x80xi32, #tpu.memory_space<hbm>>
    %dma_wait3A_26 = arith.constant 0 : i32
    %dma_wait3A_27 = arith.constant 0 : i32
    %dma_wait3A_28 = tpu.memref_slice %arg4[%add3A, %dma_wait3A_26, %dma_wait3A_27] : memref<32x125x80xi32, #tpu.memory_space<hbm>> -> memref<1x125x80xi32, #tpu.memory_space<hbm>>
    %dma_wait3A_29 = tpu.memref_squeeze %dma_wait3A_28 : memref<1x125x80xi32, #tpu.memory_space<hbm>> -> memref<125x80xi32, #tpu.memory_space<hbm>>
    tpu.wait_dma2 semaphore(%arg13 : memref<!tpu.dma_semaphore, #tpu.memory_space<semaphore_mem>>) src(%dma_wait3A_29 : memref<125x80xi32, #tpu.memory_space<hbm>>) dst(%arg7 : memref<125x80xi32, #tpu.memory_space<vmem>>)
    %barrier3A = arith.constant 0 : index
    tpu.barrier barrier_id(%barrier3A)
    %dma_start3A_30 = arith.constant 0 : i32
    %dma_start3A_31 = tpu.memref_slice %arg6[%dma_start3A_30] : memref<10000xi32, #tpu.memory_space<vmem>> -> memref<80xi32, #tpu.memory_space<vmem>>
    %dma_start3A_32 = arith.constant 0 : i32
    %dma_start3A_33 = arith.constant 0 : i32
    %dma_start3A_34 = tpu.memref_slice %arg2[%dma_start3A_32, %dma_start3A_33] : memref<10000x128xf32, #tpu.memory_space<hbm>> -> memref<10000x128xf32, #tpu.memory_space<hbm>>
    tpu.enqueue_indirect_dma source(%dma_start3A_34 : memref<10000x128xf32, #tpu.memory_space<hbm>>) target(%arg8 : memref<80x128xf32, #tpu.memory_space<vmem>>) offsets(%dma_start3A_31 : memref<80xi32, #tpu.memory_space<vmem>>) semaphore(%arg11 : memref<!tpu.dma_semaphore, #tpu.memory_space<semaphore_mem>>)
    %dma_start3A_35 = arith.constant 80 : i32
    %dma_start3A_36 = tpu.memref_slice %arg6[%dma_start3A_35] : memref<10000xi32, #tpu.memory_space<vmem>> -> memref<80xi32, #tpu.memory_space<vmem>>
    %dma_start3A_37 = arith.constant 0 : i32
    %dma_start3A_38 = arith.constant 0 : i32
    %dma_start3A_39 = tpu.memref_slice %arg2[%dma_start3A_37, %dma_start3A_38] : memref<10000x128xf32, #tpu.memory_space<hbm>> -> memref<10000x128xf32, #tpu.memory_space<hbm>>
    tpu.enqueue_indirect_dma source(%dma_start3A_39 : memref<10000x128xf32, #tpu.memory_space<hbm>>) target(%arg9 : memref<80x128xf32, #tpu.memory_space<vmem>>) offsets(%dma_start3A_36 : memref<80xi32, #tpu.memory_space<vmem>>) semaphore(%arg12 : memref<!tpu.dma_semaphore, #tpu.memory_space<semaphore_mem>>)
    %scan3A_40 = arith.constant 0 : i32
    %scan3A_41 = arith.constant 63 : i32
    %scan3A_42 = arith.addi %scan3A_40, %scan3A_41 : i32
    %scan3A_43 = arith.constant 1 : i32
    scf.for %scan3A_60 = %scan3A_40 to %scan3A_42 step %scan3A_43  : i32 {
      %mul3A_61 = arith.constant 2 : i32
      %mul3A_62 = arith.muli %scan3A_60, %mul3A_61 : i32
      %add3A_63 = arith.constant 0 : i32
      %add3A_64 = arith.addi %add3A_63, %mul3A_62 : i32
      %add3A_65 = arith.constant 0 : i32
      %add3A_66 = arith.addi %add3A_64, %add3A_65 : i32
      %lt3A = arith.constant 125 : i32
      %lt3A_67 = arith.cmpi slt, %add3A_66, %lt3A : i32
      %convert_element_type3A = arith.extui %lt3A_67 : i1 to i32
      %cond3A = arith.constant 0 : i32
      %cond3A_68 = arith.cmpi ne, %convert_element_type3A, %cond3A : i32
      scf.if %cond3A_68 {
        %dma_wait3A_76 = arith.constant 0 : i32
        %dma_wait3A_77 = arith.constant 0 : i32
        %dma_wait3A_78 = tpu.memref_slice %arg2[%dma_wait3A_76, %dma_wait3A_77] : memref<10000x128xf32, #tpu.memory_space<hbm>> -> memref<80x128xf32, #tpu.memory_space<hbm>>
        %dma_wait3A_79 = arith.constant 0 : i32
        %dma_wait3A_80 = arith.constant 0 : i32
        %dma_wait3A_81 = tpu.memref_slice %arg2[%dma_wait3A_79, %dma_wait3A_80] : memref<10000x128xf32, #tpu.memory_space<hbm>> -> memref<80x128xf32, #tpu.memory_space<hbm>>
        tpu.wait_dma2 semaphore(%arg11 : memref<!tpu.dma_semaphore, #tpu.memory_space<semaphore_mem>>) src(%dma_wait3A_81 : memref<80x128xf32, #tpu.memory_space<hbm>>) dst(%arg8 : memref<80x128xf32, #tpu.memory_space<vmem>>)
        %add3A_82 = arith.constant 0 : i32
        %add3A_83 = arith.addi %add3A_64, %add3A_82 : i32
        %dma_start3A_84 = arith.constant 0 : i32
        %dma_start3A_85 = tpu.memref_slice %arg7[%add3A_83, %dma_start3A_84] : memref<125x80xi32, #tpu.memory_space<vmem>> -> memref<1x80xi32, #tpu.memory_space<vmem>>
        %dma_start3A_86 = tpu.memref_squeeze %dma_start3A_85 : memref<1x80xi32, #tpu.memory_space<vmem>> -> memref<80xi32, #tpu.memory_space<vmem>>
        %dma_start3A_87 = arith.constant 0 : i32
        %dma_start3A_88 = arith.constant 0 : i32
        %dma_start3A_89 = tpu.memref_slice %arg17[%dma_start3A_87, %dma_start3A_88] : memref<10240x128xf32, #tpu.memory_space<vmem_shared>> -> memref<10240x128xf32, #tpu.memory_space<vmem_shared>>
        tpu.enqueue_indirect_dma source(%arg8 : memref<80x128xf32, #tpu.memory_space<vmem>>) target(%dma_start3A_89 : memref<10240x128xf32, #tpu.memory_space<vmem_shared>>) offsets(%dma_start3A_86 : memref<80xi32, #tpu.memory_space<vmem>>) semaphore(%arg13 : memref<!tpu.dma_semaphore, #tpu.memory_space<semaphore_mem>>) {add = true}
        %dma_wait3A_90 = arith.constant 0 : i32
        %dma_wait3A_91 = tpu.memref_slice %arg7[%add3A_83, %dma_wait3A_90] : memref<125x80xi32, #tpu.memory_space<vmem>> -> memref<1x80xi32, #tpu.memory_space<vmem>>
        %dma_wait3A_92 = tpu.memref_squeeze %dma_wait3A_91 : memref<1x80xi32, #tpu.memory_space<vmem>> -> memref<80xi32, #tpu.memory_space<vmem>>
        %dma_wait3A_93 = arith.constant 0 : i32
        %dma_wait3A_94 = arith.constant 0 : i32
        %dma_wait3A_95 = tpu.memref_slice %arg17[%dma_wait3A_93, %dma_wait3A_94] : memref<10240x128xf32, #tpu.memory_space<vmem_shared>> -> memref<10240x128xf32, #tpu.memory_space<vmem_shared>>
        tpu.wait_indirect_dma semaphore(%arg13 : memref<!tpu.dma_semaphore, #tpu.memory_space<semaphore_mem>>) src(%arg8 : memref<80x128xf32, #tpu.memory_space<vmem>>) dst(%dma_wait3A_95 : memref<10240x128xf32, #tpu.memory_space<vmem_shared>>)
        %add3A_96 = arith.constant 2 : i32
        %add3A_97 = arith.addi %add3A_64, %add3A_96 : i32
        %add3A_98 = arith.constant 0 : i32
        %add3A_99 = arith.addi %add3A_97, %add3A_98 : i32
        %lt3A_100 = arith.constant 125 : i32
        %lt3A_101 = arith.cmpi slt, %add3A_99, %lt3A_100 : i32
        %convert_element_type3A_102 = arith.extui %lt3A_101 : i1 to i32
        %cond3A_103 = arith.constant 0 : i32
        %cond3A_104 = arith.cmpi ne, %convert_element_type3A_102, %cond3A_103 : i32
        scf.if %cond3A_104 {
          %add3A_105 = arith.constant 2 : i32
          %add3A_106 = arith.addi %add3A_64, %add3A_105 : i32
          %add3A_107 = arith.constant 0 : i32
          %add3A_108 = arith.addi %add3A_106, %add3A_107 : i32
          %mul3A_109 = arith.constant 80 : i32
          %mul3A_110 = arith.muli %add3A_108, %mul3A_109 : i32
          %dma_start3A_111 = tpu.memref_slice %arg6[%mul3A_110] : memref<10000xi32, #tpu.memory_space<vmem>> -> memref<80xi32, #tpu.memory_space<vmem>>
          %dma_start3A_112 = arith.constant 0 : i32
          %dma_start3A_113 = arith.constant 0 : i32
          %dma_start3A_114 = tpu.memref_slice %arg2[%dma_start3A_112, %dma_start3A_113] : memref<10000x128xf32, #tpu.memory_space<hbm>> -> memref<10000x128xf32, #tpu.memory_space<hbm>>
          tpu.enqueue_indirect_dma source(%dma_start3A_114 : memref<10000x128xf32, #tpu.memory_space<hbm>>) target(%arg8 : memref<80x128xf32, #tpu.memory_space<vmem>>) offsets(%dma_start3A_111 : memref<80xi32, #tpu.memory_space<vmem>>) semaphore(%arg11 : memref<!tpu.dma_semaphore, #tpu.memory_space<semaphore_mem>>)
        } else {
        }
      } else {
      }
      %add3A_69 = arith.constant 1 : i32
      %add3A_70 = arith.addi %add3A_64, %add3A_69 : i32
      %lt3A_71 = arith.constant 125 : i32
      %lt3A_72 = arith.cmpi slt, %add3A_70, %lt3A_71 : i32
      %convert_element_type3A_73 = arith.extui %lt3A_72 : i1 to i32
      %cond3A_74 = arith.constant 0 : i32
      %cond3A_75 = arith.cmpi ne, %convert_element_type3A_73, %cond3A_74 : i32
      scf.if %cond3A_75 {
        %dma_wait3A_76 = arith.constant 0 : i32
        %dma_wait3A_77 = arith.constant 0 : i32
        %dma_wait3A_78 = tpu.memref_slice %arg2[%dma_wait3A_76, %dma_wait3A_77] : memref<10000x128xf32, #tpu.memory_space<hbm>> -> memref<80x128xf32, #tpu.memory_space<hbm>>
        %dma_wait3A_79 = arith.constant 0 : i32
        %dma_wait3A_80 = arith.constant 0 : i32
        %dma_wait3A_81 = tpu.memref_slice %arg2[%dma_wait3A_79, %dma_wait3A_80] : memref<10000x128xf32, #tpu.memory_space<hbm>> -> memref<80x128xf32, #tpu.memory_space<hbm>>
        tpu.wait_dma2 semaphore(%arg12 : memref<!tpu.dma_semaphore, #tpu.memory_space<semaphore_mem>>) src(%dma_wait3A_81 : memref<80x128xf32, #tpu.memory_space<hbm>>) dst(%arg9 : memref<80x128xf32, #tpu.memory_space<vmem>>)
        %add3A_82 = arith.constant 1 : i32
        %add3A_83 = arith.addi %add3A_64, %add3A_82 : i32
        %dma_start3A_84 = arith.constant 0 : i32
        %dma_start3A_85 = tpu.memref_slice %arg7[%add3A_83, %dma_start3A_84] : memref<125x80xi32, #tpu.memory_space<vmem>> -> memref<1x80xi32, #tpu.memory_space<vmem>>
        %dma_start3A_86 = tpu.memref_squeeze %dma_start3A_85 : memref<1x80xi32, #tpu.memory_space<vmem>> -> memref<80xi32, #tpu.memory_space<vmem>>
        %dma_start3A_87 = arith.constant 0 : i32
        %dma_start3A_88 = arith.constant 0 : i32
        %dma_start3A_89 = tpu.memref_slice %arg17[%dma_start3A_87, %dma_start3A_88] : memref<10240x128xf32, #tpu.memory_space<vmem_shared>> -> memref<10240x128xf32, #tpu.memory_space<vmem_shared>>
        tpu.enqueue_indirect_dma source(%arg9 : memref<80x128xf32, #tpu.memory_space<vmem>>) target(%dma_start3A_89 : memref<10240x128xf32, #tpu.memory_space<vmem_shared>>) offsets(%dma_start3A_86 : memref<80xi32, #tpu.memory_space<vmem>>) semaphore(%arg14 : memref<!tpu.dma_semaphore, #tpu.memory_space<semaphore_mem>>) {add = true}
        %dma_wait3A_90 = arith.constant 0 : i32
        %dma_wait3A_91 = tpu.memref_slice %arg7[%add3A_83, %dma_wait3A_90] : memref<125x80xi32, #tpu.memory_space<vmem>> -> memref<1x80xi32, #tpu.memory_space<vmem>>
        %dma_wait3A_92 = tpu.memref_squeeze %dma_wait3A_91 : memref<1x80xi32, #tpu.memory_space<vmem>> -> memref<80xi32, #tpu.memory_space<vmem>>
        %dma_wait3A_93 = arith.constant 0 : i32
        %dma_wait3A_94 = arith.constant 0 : i32
        %dma_wait3A_95 = tpu.memref_slice %arg17[%dma_wait3A_93, %dma_wait3A_94] : memref<10240x128xf32, #tpu.memory_space<vmem_shared>> -> memref<10240x128xf32, #tpu.memory_space<vmem_shared>>
        tpu.wait_indirect_dma semaphore(%arg14 : memref<!tpu.dma_semaphore, #tpu.memory_space<semaphore_mem>>) src(%arg9 : memref<80x128xf32, #tpu.memory_space<vmem>>) dst(%dma_wait3A_95 : memref<10240x128xf32, #tpu.memory_space<vmem_shared>>)
        %add3A_96 = arith.constant 2 : i32
        %add3A_97 = arith.addi %add3A_64, %add3A_96 : i32
        %add3A_98 = arith.constant 1 : i32
        %add3A_99 = arith.addi %add3A_97, %add3A_98 : i32
        %lt3A_100 = arith.constant 125 : i32
        %lt3A_101 = arith.cmpi slt, %add3A_99, %lt3A_100 : i32
        %convert_element_type3A_102 = arith.extui %lt3A_101 : i1 to i32
        %cond3A_103 = arith.constant 0 : i32
        %cond3A_104 = arith.cmpi ne, %convert_element_type3A_102, %cond3A_103 : i32
        scf.if %cond3A_104 {
          %add3A_105 = arith.constant 2 : i32
          %add3A_106 = arith.addi %add3A_64, %add3A_105 : i32
          %add3A_107 = arith.constant 1 : i32
          %add3A_108 = arith.addi %add3A_106, %add3A_107 : i32
          %mul3A_109 = arith.constant 80 : i32
          %mul3A_110 = arith.muli %add3A_108, %mul3A_109 : i32
          %dma_start3A_111 = tpu.memref_slice %arg6[%mul3A_110] : memref<10000xi32, #tpu.memory_space<vmem>> -> memref<80xi32, #tpu.memory_space<vmem>>
          %dma_start3A_112 = arith.constant 0 : i32
          %dma_start3A_113 = arith.constant 0 : i32
          %dma_start3A_114 = tpu.memref_slice %arg2[%dma_start3A_112, %dma_start3A_113] : memref<10000x128xf32, #tpu.memory_space<hbm>> -> memref<10000x128xf32, #tpu.memory_space<hbm>>
          tpu.enqueue_indirect_dma source(%dma_start3A_114 : memref<10000x128xf32, #tpu.memory_space<hbm>>) target(%arg9 : memref<80x128xf32, #tpu.memory_space<vmem>>) offsets(%dma_start3A_111 : memref<80xi32, #tpu.memory_space<vmem>>) semaphore(%arg12 : memref<!tpu.dma_semaphore, #tpu.memory_space<semaphore_mem>>)
        } else {
        }
      } else {
      }
    }
    %scan3A_44 = arith.constant 63 : i32
    %barrier3A_45 = arith.constant 0 : index
    tpu.barrier barrier_id(%barrier3A_45)
    %mul3A_46 = arith.constant 640 : i32
    %mul3A_47 = arith.muli %arg1, %mul3A_46 : i32
    %mul3A_48 = arith.constant 640 : i32
    %mul3A_49 = arith.muli %arg1, %mul3A_48 : i32
    %dma_start3A_50 = arith.constant 0 : i32
    %dma_start3A_51 = tpu.memref_slice %arg5[%arg0, %mul3A_49, %dma_start3A_50] : memref<2x10240x128xf32, #tpu.memory_space<hbm>> -> memref<1x640x128xf32, #tpu.memory_space<hbm>>
    %dma_start3A_52 = tpu.memref_squeeze %dma_start3A_51 : memref<1x640x128xf32, #tpu.memory_space<hbm>> -> memref<640x128xf32, #tpu.memory_space<hbm>>
    %dma_start3A_53 = arith.constant 0 : i32
    %dma_start3A_54 = tpu.memref_slice %arg17[%mul3A_47, %dma_start3A_53] : memref<10240x128xf32, #tpu.memory_space<vmem_shared>> -> memref<640x128xf32, #tpu.memory_space<vmem_shared>>
    tpu.enqueue_dma source(%dma_start3A_54 : memref<640x128xf32, #tpu.memory_space<vmem_shared>>) target(%dma_start3A_52 : memref<640x128xf32, #tpu.memory_space<hbm>>) target_semaphore(%arg11 : memref<!tpu.dma_semaphore, #tpu.memory_space<semaphore_mem>>)
    %dma_wait3A_55 = arith.constant 0 : i32
    %dma_wait3A_56 = tpu.memref_slice %arg5[%arg0, %mul3A_49, %dma_wait3A_55] : memref<2x10240x128xf32, #tpu.memory_space<hbm>> -> memref<1x640x128xf32, #tpu.memory_space<hbm>>
    %dma_wait3A_57 = tpu.memref_squeeze %dma_wait3A_56 : memref<1x640x128xf32, #tpu.memory_space<hbm>> -> memref<640x128xf32, #tpu.memory_space<hbm>>
    %dma_wait3A_58 = arith.constant 0 : i32
    %dma_wait3A_59 = tpu.memref_slice %arg17[%mul3A_47, %dma_wait3A_58] : memref<10240x128xf32, #tpu.memory_space<vmem_shared>> -> memref<640x128xf32, #tpu.memory_space<vmem_shared>>
    tpu.wait_dma2 semaphore(%arg11 : memref<!tpu.dma_semaphore, #tpu.memory_space<semaphore_mem>>) src(%dma_wait3A_59 : memref<640x128xf32, #tpu.memory_space<vmem_shared>>) dst(%dma_wait3A_57 : memref<640x128xf32, #tpu.memory_space<hbm>>)
    return
  }
}

#map = affine_map<(d0, d1) -> (0, 0)>
#map1 = affine_map<(d0, d1) -> (0)>
#map2 = affine_map<(d0, d1) -> (0, 0, 0)>
module attributes {stable_mosaic.version = 14 : i64} {
  func.func @agg(%arg0: i32, %arg1: i32, %arg2: memref<10000x128xf32, #tpu.memory_space<hbm>>, %arg3: memref<320000xi32, #tpu.memory_space<hbm>>, %arg4: memref<32x125x80xi32, #tpu.memory_space<hbm>>, %arg5: memref<2x10240x128xf32, #tpu.memory_space<hbm>>, %arg6: memref<20480xf32, #tpu.memory_space<hbm>>, %arg7: memref<10000xi32, #tpu.memory_space<vmem>>, %arg8: memref<125x80xi32, #tpu.memory_space<vmem>>, %arg9: memref<80x128xf32, #tpu.memory_space<vmem>>, %arg10: memref<80x128xf32, #tpu.memory_space<vmem>>, %arg11: memref<80xf32, #tpu.memory_space<vmem>>, %arg12: memref<!tpu.dma_semaphore, #tpu.memory_space<semaphore_mem>>, %arg13: memref<!tpu.dma_semaphore, #tpu.memory_space<semaphore_mem>>, %arg14: memref<!tpu.dma_semaphore, #tpu.memory_space<semaphore_mem>>, %arg15: memref<!tpu.dma_semaphore, #tpu.memory_space<semaphore_mem>>, %arg16: memref<!tpu.dma_semaphore, #tpu.memory_space<semaphore_mem>>, %arg17: memref<!tpu.dma_semaphore, #tpu.memory_space<semaphore_mem>>, %arg18: memref<10240x128xf32, #tpu.memory_space<vmem_shared>>, %arg19: memref<10240xf32, #tpu.memory_space<vmem_shared>>) attributes {dimension_semantics = [#tpu.dimension_semantics<core_parallel>, #tpu.dimension_semantics<subcore_parallel>], iteration_bounds = array<i64: 2, 16>, scalar_prefetch = 0 : i64, scratch_operands = 13 : i64, tpu.core_type = #tpu.core_type<sc_vector_subcore>, window_params = [{transform_indices = #map}, {transform_indices = #map1}, {transform_indices = #map2}, {transform_indices = #map2}, {transform_indices = #map1}]} {
    %mul3A = arith.constant 16 : i32
    %mul3A_0 = arith.muli %arg0, %mul3A : i32
    %add3A = arith.addi %mul3A_0, %arg1 : i32
    %mul3A_1 = arith.constant 10000 : i32
    %mul3A_2 = arith.muli %add3A, %mul3A_1 : i32
    %dma_start3A = tpu.memref_slice %arg3[%mul3A_2] : memref<320000xi32, #tpu.memory_space<hbm>> -> memref<10000xi32, #tpu.memory_space<hbm>>
    %dma_start3A_3 = tpu.memref_slice %arg3[%mul3A_2] : memref<320000xi32, #tpu.memory_space<hbm>> -> memref<10000xi32, #tpu.memory_space<hbm>>
    tpu.enqueue_dma source(%dma_start3A_3 : memref<10000xi32, #tpu.memory_space<hbm>>) target(%arg7 : memref<10000xi32, #tpu.memory_space<vmem>>) target_semaphore(%arg13 : memref<!tpu.dma_semaphore, #tpu.memory_space<semaphore_mem>>)
    %dma_start3A_4 = arith.constant 0 : i32
    %dma_start3A_5 = arith.constant 0 : i32
    %dma_start3A_6 = tpu.memref_slice %arg4[%add3A, %dma_start3A_4, %dma_start3A_5] : memref<32x125x80xi32, #tpu.memory_space<hbm>> -> memref<1x125x80xi32, #tpu.memory_space<hbm>>
    %dma_start3A_7 = tpu.memref_squeeze %dma_start3A_6 : memref<1x125x80xi32, #tpu.memory_space<hbm>> -> memref<125x80xi32, #tpu.memory_space<hbm>>
    %dma_start3A_8 = arith.constant 0 : i32
    %dma_start3A_9 = arith.constant 0 : i32
    %dma_start3A_10 = tpu.memref_slice %arg4[%add3A, %dma_start3A_8, %dma_start3A_9] : memref<32x125x80xi32, #tpu.memory_space<hbm>> -> memref<1x125x80xi32, #tpu.memory_space<hbm>>
    %dma_start3A_11 = tpu.memref_squeeze %dma_start3A_10 : memref<1x125x80xi32, #tpu.memory_space<hbm>> -> memref<125x80xi32, #tpu.memory_space<hbm>>
    tpu.enqueue_dma source(%dma_start3A_11 : memref<125x80xi32, #tpu.memory_space<hbm>>) target(%arg8 : memref<125x80xi32, #tpu.memory_space<vmem>>) target_semaphore(%arg14 : memref<!tpu.dma_semaphore, #tpu.memory_space<semaphore_mem>>)
    %scan3A = arith.constant 0 : i32
    %scan3A_12 = arith.constant 80 : i32
    %scan3A_13 = arith.addi %scan3A, %scan3A_12 : i32
    %scan3A_14 = arith.constant 1 : i32
    scf.for %scan3A_77 = %scan3A to %scan3A_13 step %scan3A_14  : i32 {
      %mul3A_78 = arith.constant 1 : i32
      %mul3A_79 = arith.muli %scan3A_77, %mul3A_78 : i32
      %add3A_80 = arith.constant 0 : i32
      %add3A_81 = arith.addi %add3A_80, %mul3A_79 : i32
      %broadcast_in_dim3A = arith.constant 0.000000e+00 : f32
      %broadcast_in_dim3A_82 = vector.broadcast %broadcast_in_dim3A : f32 to vector<16xf32>
      %swap3A = arith.index_cast %add3A_81 : i32 to index
      %swap3A_83 = arith.constant 0 : index
      %swap3A_84 = tpu.vector_load %arg9[%swap3A, %swap3A_83] {strides = array<i32>} : memref<80x128xf32, #tpu.memory_space<vmem>>, vector<1x16xf32>,
      %swap3A_85 = vector.shape_cast %swap3A_84 : vector<1x16xf32> to vector<16xf32>
      %swap3A_86 = vector.shape_cast %broadcast_in_dim3A_82 : vector<16xf32> to vector<1x16xf32>
      tpu.vector_store %arg9[%swap3A, %swap3A_83], %swap3A_86 {strides = array<i32>} : memref<80x128xf32, #tpu.memory_space<vmem>>, vector<1x16xf32>,
      %broadcast_in_dim3A_87 = arith.constant 0.000000e+00 : f32
      %broadcast_in_dim3A_88 = vector.broadcast %broadcast_in_dim3A_87 : f32 to vector<16xf32>
      %swap3A_89 = arith.index_cast %add3A_81 : i32 to index
      %swap3A_90 = arith.constant 16 : index
      %swap3A_91 = tpu.vector_load %arg9[%swap3A_89, %swap3A_90] {strides = array<i32>} : memref<80x128xf32, #tpu.memory_space<vmem>>, vector<1x16xf32>,
      %swap3A_92 = vector.shape_cast %swap3A_91 : vector<1x16xf32> to vector<16xf32>
      %swap3A_93 = vector.shape_cast %broadcast_in_dim3A_88 : vector<16xf32> to vector<1x16xf32>
      tpu.vector_store %arg9[%swap3A_89, %swap3A_90], %swap3A_93 {strides = array<i32>} : memref<80x128xf32, #tpu.memory_space<vmem>>, vector<1x16xf32>,
      %broadcast_in_dim3A_94 = arith.constant 0.000000e+00 : f32
      %broadcast_in_dim3A_95 = vector.broadcast %broadcast_in_dim3A_94 : f32 to vector<16xf32>
      %swap3A_96 = arith.index_cast %add3A_81 : i32 to index
      %swap3A_97 = arith.constant 32 : index
      %swap3A_98 = tpu.vector_load %arg9[%swap3A_96, %swap3A_97] {strides = array<i32>} : memref<80x128xf32, #tpu.memory_space<vmem>>, vector<1x16xf32>,
      %swap3A_99 = vector.shape_cast %swap3A_98 : vector<1x16xf32> to vector<16xf32>
      %swap3A_100 = vector.shape_cast %broadcast_in_dim3A_95 : vector<16xf32> to vector<1x16xf32>
      tpu.vector_store %arg9[%swap3A_96, %swap3A_97], %swap3A_100 {strides = array<i32>} : memref<80x128xf32, #tpu.memory_space<vmem>>, vector<1x16xf32>,
      %broadcast_in_dim3A_101 = arith.constant 0.000000e+00 : f32
      %broadcast_in_dim3A_102 = vector.broadcast %broadcast_in_dim3A_101 : f32 to vector<16xf32>
      %swap3A_103 = arith.index_cast %add3A_81 : i32 to index
      %swap3A_104 = arith.constant 48 : index
      %swap3A_105 = tpu.vector_load %arg9[%swap3A_103, %swap3A_104] {strides = array<i32>} : memref<80x128xf32, #tpu.memory_space<vmem>>, vector<1x16xf32>,
      %swap3A_106 = vector.shape_cast %swap3A_105 : vector<1x16xf32> to vector<16xf32>
      %swap3A_107 = vector.shape_cast %broadcast_in_dim3A_102 : vector<16xf32> to vector<1x16xf32>
      tpu.vector_store %arg9[%swap3A_103, %swap3A_104], %swap3A_107 {strides = array<i32>} : memref<80x128xf32, #tpu.memory_space<vmem>>, vector<1x16xf32>,
      %broadcast_in_dim3A_108 = arith.constant 0.000000e+00 : f32
      %broadcast_in_dim3A_109 = vector.broadcast %broadcast_in_dim3A_108 : f32 to vector<16xf32>
      %swap3A_110 = arith.index_cast %add3A_81 : i32 to index
      %swap3A_111 = arith.constant 64 : index
      %swap3A_112 = tpu.vector_load %arg9[%swap3A_110, %swap3A_111] {strides = array<i32>} : memref<80x128xf32, #tpu.memory_space<vmem>>, vector<1x16xf32>,
      %swap3A_113 = vector.shape_cast %swap3A_112 : vector<1x16xf32> to vector<16xf32>
      %swap3A_114 = vector.shape_cast %broadcast_in_dim3A_109 : vector<16xf32> to vector<1x16xf32>
      tpu.vector_store %arg9[%swap3A_110, %swap3A_111], %swap3A_114 {strides = array<i32>} : memref<80x128xf32, #tpu.memory_space<vmem>>, vector<1x16xf32>,
      %broadcast_in_dim3A_115 = arith.constant 0.000000e+00 : f32
      %broadcast_in_dim3A_116 = vector.broadcast %broadcast_in_dim3A_115 : f32 to vector<16xf32>
      %swap3A_117 = arith.index_cast %add3A_81 : i32 to index
      %swap3A_118 = arith.constant 80 : index
      %swap3A_119 = tpu.vector_load %arg9[%swap3A_117, %swap3A_118] {strides = array<i32>} : memref<80x128xf32, #tpu.memory_space<vmem>>, vector<1x16xf32>,
      %swap3A_120 = vector.shape_cast %swap3A_119 : vector<1x16xf32> to vector<16xf32>
      %swap3A_121 = vector.shape_cast %broadcast_in_dim3A_116 : vector<16xf32> to vector<1x16xf32>
      tpu.vector_store %arg9[%swap3A_117, %swap3A_118], %swap3A_121 {strides = array<i32>} : memref<80x128xf32, #tpu.memory_space<vmem>>, vector<1x16xf32>,
      %broadcast_in_dim3A_122 = arith.constant 0.000000e+00 : f32
      %broadcast_in_dim3A_123 = vector.broadcast %broadcast_in_dim3A_122 : f32 to vector<16xf32>
      %swap3A_124 = arith.index_cast %add3A_81 : i32 to index
      %swap3A_125 = arith.constant 96 : index
      %swap3A_126 = tpu.vector_load %arg9[%swap3A_124, %swap3A_125] {strides = array<i32>} : memref<80x128xf32, #tpu.memory_space<vmem>>, vector<1x16xf32>,
      %swap3A_127 = vector.shape_cast %swap3A_126 : vector<1x16xf32> to vector<16xf32>
      %swap3A_128 = vector.shape_cast %broadcast_in_dim3A_123 : vector<16xf32> to vector<1x16xf32>
      tpu.vector_store %arg9[%swap3A_124, %swap3A_125], %swap3A_128 {strides = array<i32>} : memref<80x128xf32, #tpu.memory_space<vmem>>, vector<1x16xf32>,
      %broadcast_in_dim3A_129 = arith.constant 0.000000e+00 : f32
      %broadcast_in_dim3A_130 = vector.broadcast %broadcast_in_dim3A_129 : f32 to vector<16xf32>
      %swap3A_131 = arith.index_cast %add3A_81 : i32 to index
      %swap3A_132 = arith.constant 112 : index
      %swap3A_133 = tpu.vector_load %arg9[%swap3A_131, %swap3A_132] {strides = array<i32>} : memref<80x128xf32, #tpu.memory_space<vmem>>, vector<1x16xf32>,
      %swap3A_134 = vector.shape_cast %swap3A_133 : vector<1x16xf32> to vector<16xf32>
      %swap3A_135 = vector.shape_cast %broadcast_in_dim3A_130 : vector<16xf32> to vector<1x16xf32>
      tpu.vector_store %arg9[%swap3A_131, %swap3A_132], %swap3A_135 {strides = array<i32>} : memref<80x128xf32, #tpu.memory_space<vmem>>, vector<1x16xf32>,
    }
    %scan3A_15 = arith.constant 80 : i32
    %scan3A_16 = arith.constant 0 : i32
    %scan3A_17 = arith.constant 8 : i32
    %scan3A_18 = arith.addi %scan3A_16, %scan3A_17 : i32
    %scan3A_19 = arith.constant 1 : i32
    scf.for %scan3A_77 = %scan3A_16 to %scan3A_18 step %scan3A_19  : i32 {
      %mul3A_78 = arith.constant 80 : i32
      %mul3A_79 = arith.muli %scan3A_77, %mul3A_78 : i32
      %add3A_80 = arith.constant 0 : i32
      %add3A_81 = arith.addi %add3A_80, %mul3A_79 : i32
      %mul3A_82 = arith.constant 640 : i32
      %mul3A_83 = arith.muli %arg1, %mul3A_82 : i32
      %add3A_84 = arith.addi %mul3A_83, %add3A_81 : i32
      "tpu.region"() ({
        %run_scoped3A = tpu.sem_alloc : memref<!tpu.dma_semaphore, #tpu.memory_space<semaphore_mem>>
        %dma_start3A_85 = arith.constant 0 : i32
        %dma_start3A_86 = tpu.memref_slice %arg18[%add3A_84, %dma_start3A_85] : memref<10240x128xf32, #tpu.memory_space<vmem_shared>> -> memref<80x128xf32, #tpu.memory_space<vmem_shared>>
        %dma_start3A_87 = arith.constant 0 : i32
        %dma_start3A_88 = tpu.memref_slice %arg18[%add3A_84, %dma_start3A_87] : memref<10240x128xf32, #tpu.memory_space<vmem_shared>> -> memref<80x128xf32, #tpu.memory_space<vmem_shared>>
        tpu.enqueue_dma source(%arg9 : memref<80x128xf32, #tpu.memory_space<vmem>>) target(%dma_start3A_88 : memref<80x128xf32, #tpu.memory_space<vmem_shared>>) target_semaphore(%run_scoped3A : memref<!tpu.dma_semaphore, #tpu.memory_space<semaphore_mem>>)
        %dma_wait3A_89 = arith.constant 0 : i32
        %dma_wait3A_90 = tpu.memref_slice %arg18[%add3A_84, %dma_wait3A_89] : memref<10240x128xf32, #tpu.memory_space<vmem_shared>> -> memref<80x128xf32, #tpu.memory_space<vmem_shared>>
        %dma_wait3A_91 = arith.constant 0 : i32
        %dma_wait3A_92 = tpu.memref_slice %arg18[%add3A_84, %dma_wait3A_91] : memref<10240x128xf32, #tpu.memory_space<vmem_shared>> -> memref<80x128xf32, #tpu.memory_space<vmem_shared>>
        tpu.wait_dma2 semaphore(%run_scoped3A : memref<!tpu.dma_semaphore, #tpu.memory_space<semaphore_mem>>) src(%arg9 : memref<80x128xf32, #tpu.memory_space<vmem>>) dst(%dma_wait3A_92 : memref<80x128xf32, #tpu.memory_space<vmem_shared>>)
        tpu.yield
      }) : () -> ()
    }
    %scan3A_20 = arith.constant 8 : i32
    %scan3A_21 = arith.constant 0 : i32
    %scan3A_22 = arith.constant 5 : i32
    %scan3A_23 = arith.addi %scan3A_21, %scan3A_22 : i32
    %scan3A_24 = arith.constant 1 : i32
    scf.for %scan3A_77 = %scan3A_21 to %scan3A_23 step %scan3A_24  : i32 {
      %mul3A_78 = arith.constant 128 : i32
      %mul3A_79 = arith.muli %scan3A_77, %mul3A_78 : i32
      %add3A_80 = arith.constant 0 : i32
      %add3A_81 = arith.addi %add3A_80, %mul3A_79 : i32
      %mul3A_82 = arith.constant 640 : i32
      %mul3A_83 = arith.muli %arg1, %mul3A_82 : i32
      %add3A_84 = arith.addi %mul3A_83, %add3A_81 : i32
      %run_scoped3A = arith.constant 0 : i32
      "tpu.region"() ({
        %run_scoped3A_85 = tpu.sem_alloc : memref<!tpu.dma_semaphore, #tpu.memory_space<semaphore_mem>>
        %dma_start3A_86 = arith.constant 0 : i32
        %dma_start3A_87 = tpu.memref_slice %arg9[%run_scoped3A, %dma_start3A_86] : memref<80x128xf32, #tpu.memory_space<vmem>> -> memref<1x128xf32, #tpu.memory_space<vmem>>
        %dma_start3A_88 = tpu.memref_squeeze %dma_start3A_87 : memref<1x128xf32, #tpu.memory_space<vmem>> -> memref<128xf32, #tpu.memory_space<vmem>>
        %dma_start3A_89 = tpu.memref_slice %arg19[%add3A_84] : memref<10240xf32, #tpu.memory_space<vmem_shared>> -> memref<128xf32, #tpu.memory_space<vmem_shared>>
        %dma_start3A_90 = tpu.memref_slice %arg19[%add3A_84] : memref<10240xf32, #tpu.memory_space<vmem_shared>> -> memref<128xf32, #tpu.memory_space<vmem_shared>>
        %dma_start3A_91 = arith.constant 0 : i32
        %dma_start3A_92 = tpu.memref_slice %arg9[%run_scoped3A, %dma_start3A_91] : memref<80x128xf32, #tpu.memory_space<vmem>> -> memref<1x128xf32, #tpu.memory_space<vmem>>
        %dma_start3A_93 = tpu.memref_squeeze %dma_start3A_92 : memref<1x128xf32, #tpu.memory_space<vmem>> -> memref<128xf32, #tpu.memory_space<vmem>>
        tpu.enqueue_dma source(%dma_start3A_93 : memref<128xf32, #tpu.memory_space<vmem>>) target(%dma_start3A_90 : memref<128xf32, #tpu.memory_space<vmem_shared>>) target_semaphore(%run_scoped3A_85 : memref<!tpu.dma_semaphore, #tpu.memory_space<semaphore_mem>>)
        %dma_wait3A_94 = arith.constant 0 : i32
        %dma_wait3A_95 = tpu.memref_slice %arg9[%run_scoped3A, %dma_wait3A_94] : memref<80x128xf32, #tpu.memory_space<vmem>> -> memref<1x128xf32, #tpu.memory_space<vmem>>
        %dma_wait3A_96 = tpu.memref_squeeze %dma_wait3A_95 : memref<1x128xf32, #tpu.memory_space<vmem>> -> memref<128xf32, #tpu.memory_space<vmem>>
        %dma_wait3A_97 = tpu.memref_slice %arg19[%add3A_84] : memref<10240xf32, #tpu.memory_space<vmem_shared>> -> memref<128xf32, #tpu.memory_space<vmem_shared>>
        %dma_wait3A_98 = tpu.memref_slice %arg19[%add3A_84] : memref<10240xf32, #tpu.memory_space<vmem_shared>> -> memref<128xf32, #tpu.memory_space<vmem_shared>>
        %dma_wait3A_99 = arith.constant 0 : i32
        %dma_wait3A_100 = tpu.memref_slice %arg9[%run_scoped3A, %dma_wait3A_99] : memref<80x128xf32, #tpu.memory_space<vmem>> -> memref<1x128xf32, #tpu.memory_space<vmem>>
        %dma_wait3A_101 = tpu.memref_squeeze %dma_wait3A_100 : memref<1x128xf32, #tpu.memory_space<vmem>> -> memref<128xf32, #tpu.memory_space<vmem>>
        tpu.wait_dma2 semaphore(%run_scoped3A_85 : memref<!tpu.dma_semaphore, #tpu.memory_space<semaphore_mem>>) src(%dma_wait3A_101 : memref<128xf32, #tpu.memory_space<vmem>>) dst(%dma_wait3A_98 : memref<128xf32, #tpu.memory_space<vmem_shared>>)
        tpu.yield
      }) : () -> ()
    }
    %scan3A_25 = arith.constant 5 : i32
    %scan3A_26 = arith.constant 0 : i32
    %scan3A_27 = arith.constant 5 : i32
    %scan3A_28 = arith.addi %scan3A_26, %scan3A_27 : i32
    %scan3A_29 = arith.constant 1 : i32
    scf.for %scan3A_77 = %scan3A_26 to %scan3A_28 step %scan3A_29  : i32 {
      %mul3A_78 = arith.constant 16 : i32
      %mul3A_79 = arith.muli %scan3A_77, %mul3A_78 : i32
      %add3A_80 = arith.constant 0 : i32
      %add3A_81 = arith.addi %add3A_80, %mul3A_79 : i32
      %broadcast_in_dim3A = arith.constant 1.000000e+00 : f32
      %broadcast_in_dim3A_82 = vector.broadcast %broadcast_in_dim3A : f32 to vector<16xf32>
      %swap3A = arith.index_cast %add3A_81 : i32 to index
      %swap3A_83 = tpu.vector_load %arg11[%swap3A] {strides = array<i32>} : memref<80xf32, #tpu.memory_space<vmem>>, vector<16xf32>,
      %swap3A_84 = vector.shape_cast %swap3A_83 : vector<16xf32> to vector<16xf32>
      %swap3A_85 = vector.shape_cast %broadcast_in_dim3A_82 : vector<16xf32> to vector<16xf32>
      tpu.vector_store %arg11[%swap3A], %swap3A_85 {strides = array<i32>} : memref<80xf32, #tpu.memory_space<vmem>>, vector<16xf32>,
    }
    %scan3A_30 = arith.constant 5 : i32
    %dma_wait3A = tpu.memref_slice %arg3[%mul3A_2] : memref<320000xi32, #tpu.memory_space<hbm>> -> memref<10000xi32, #tpu.memory_space<hbm>>
    %dma_wait3A_31 = tpu.memref_slice %arg3[%mul3A_2] : memref<320000xi32, #tpu.memory_space<hbm>> -> memref<10000xi32, #tpu.memory_space<hbm>>
    tpu.wait_dma2 semaphore(%arg13 : memref<!tpu.dma_semaphore, #tpu.memory_space<semaphore_mem>>) src(%dma_wait3A_31 : memref<10000xi32, #tpu.memory_space<hbm>>) dst(%arg7 : memref<10000xi32, #tpu.memory_space<vmem>>)
    %dma_wait3A_32 = arith.constant 0 : i32
    %dma_wait3A_33 = arith.constant 0 : i32
    %dma_wait3A_34 = tpu.memref_slice %arg4[%add3A, %dma_wait3A_32, %dma_wait3A_33] : memref<32x125x80xi32, #tpu.memory_space<hbm>> -> memref<1x125x80xi32, #tpu.memory_space<hbm>>
    %dma_wait3A_35 = tpu.memref_squeeze %dma_wait3A_34 : memref<1x125x80xi32, #tpu.memory_space<hbm>> -> memref<125x80xi32, #tpu.memory_space<hbm>>
    %dma_wait3A_36 = arith.constant 0 : i32
    %dma_wait3A_37 = arith.constant 0 : i32
    %dma_wait3A_38 = tpu.memref_slice %arg4[%add3A, %dma_wait3A_36, %dma_wait3A_37] : memref<32x125x80xi32, #tpu.memory_space<hbm>> -> memref<1x125x80xi32, #tpu.memory_space<hbm>>
    %dma_wait3A_39 = tpu.memref_squeeze %dma_wait3A_38 : memref<1x125x80xi32, #tpu.memory_space<hbm>> -> memref<125x80xi32, #tpu.memory_space<hbm>>
    tpu.wait_dma2 semaphore(%arg14 : memref<!tpu.dma_semaphore, #tpu.memory_space<semaphore_mem>>) src(%dma_wait3A_39 : memref<125x80xi32, #tpu.memory_space<hbm>>) dst(%arg8 : memref<125x80xi32, #tpu.memory_space<vmem>>)
    %barrier3A = arith.constant 0 : index
    tpu.barrier barrier_id(%barrier3A)
    %dma_start3A_40 = arith.constant 0 : i32
    %dma_start3A_41 = tpu.memref_slice %arg7[%dma_start3A_40] : memref<10000xi32, #tpu.memory_space<vmem>> -> memref<80xi32, #tpu.memory_space<vmem>>
    %dma_start3A_42 = arith.constant 0 : i32
    %dma_start3A_43 = arith.constant 0 : i32
    %dma_start3A_44 = tpu.memref_slice %arg2[%dma_start3A_42, %dma_start3A_43] : memref<10000x128xf32, #tpu.memory_space<hbm>> -> memref<10000x128xf32, #tpu.memory_space<hbm>>
    tpu.enqueue_indirect_dma source(%dma_start3A_44 : memref<10000x128xf32, #tpu.memory_space<hbm>>) target(%arg9 : memref<80x128xf32, #tpu.memory_space<vmem>>) offsets(%dma_start3A_41 : memref<80xi32, #tpu.memory_space<vmem>>) semaphore(%arg12 : memref<!tpu.dma_semaphore, #tpu.memory_space<semaphore_mem>>)
    %dma_start3A_45 = arith.constant 80 : i32
    %dma_start3A_46 = tpu.memref_slice %arg7[%dma_start3A_45] : memref<10000xi32, #tpu.memory_space<vmem>> -> memref<80xi32, #tpu.memory_space<vmem>>
    %dma_start3A_47 = arith.constant 0 : i32
    %dma_start3A_48 = arith.constant 0 : i32
    %dma_start3A_49 = tpu.memref_slice %arg2[%dma_start3A_47, %dma_start3A_48] : memref<10000x128xf32, #tpu.memory_space<hbm>> -> memref<10000x128xf32, #tpu.memory_space<hbm>>
    tpu.enqueue_indirect_dma source(%dma_start3A_49 : memref<10000x128xf32, #tpu.memory_space<hbm>>) target(%arg10 : memref<80x128xf32, #tpu.memory_space<vmem>>) offsets(%dma_start3A_46 : memref<80xi32, #tpu.memory_space<vmem>>) semaphore(%arg13 : memref<!tpu.dma_semaphore, #tpu.memory_space<semaphore_mem>>)
    %scan3A_50 = arith.constant 0 : i32
    %scan3A_51 = arith.constant 63 : i32
    %scan3A_52 = arith.addi %scan3A_50, %scan3A_51 : i32
    %scan3A_53 = arith.constant 1 : i32
    scf.for %scan3A_77 = %scan3A_50 to %scan3A_52 step %scan3A_53  : i32 {
      %mul3A_78 = arith.constant 2 : i32
      %mul3A_79 = arith.muli %scan3A_77, %mul3A_78 : i32
      %add3A_80 = arith.constant 0 : i32
      %add3A_81 = arith.addi %add3A_80, %mul3A_79 : i32
      %add3A_82 = arith.constant 0 : i32
      %add3A_83 = arith.addi %add3A_81, %add3A_82 : i32
      %lt3A = arith.constant 125 : i32
      %lt3A_84 = arith.cmpi slt, %add3A_83, %lt3A : i32
      %convert_element_type3A = arith.extui %lt3A_84 : i1 to i32
      %cond3A = arith.constant 0 : i32
      %cond3A_85 = arith.cmpi ne, %convert_element_type3A, %cond3A : i32
      scf.if %cond3A_85 {
        %dma_wait3A_93 = arith.constant 0 : i32
        %dma_wait3A_94 = arith.constant 0 : i32
        %dma_wait3A_95 = tpu.memref_slice %arg2[%dma_wait3A_93, %dma_wait3A_94] : memref<10000x128xf32, #tpu.memory_space<hbm>> -> memref<80x128xf32, #tpu.memory_space<hbm>>
        %dma_wait3A_96 = arith.constant 0 : i32
        %dma_wait3A_97 = arith.constant 0 : i32
        %dma_wait3A_98 = tpu.memref_slice %arg2[%dma_wait3A_96, %dma_wait3A_97] : memref<10000x128xf32, #tpu.memory_space<hbm>> -> memref<80x128xf32, #tpu.memory_space<hbm>>
        tpu.wait_dma2 semaphore(%arg12 : memref<!tpu.dma_semaphore, #tpu.memory_space<semaphore_mem>>) src(%dma_wait3A_98 : memref<80x128xf32, #tpu.memory_space<hbm>>) dst(%arg9 : memref<80x128xf32, #tpu.memory_space<vmem>>)
        %add3A_99 = arith.constant 0 : i32
        %add3A_100 = arith.addi %add3A_81, %add3A_99 : i32
        %dma_start3A_101 = arith.constant 0 : i32
        %dma_start3A_102 = tpu.memref_slice %arg8[%add3A_100, %dma_start3A_101] : memref<125x80xi32, #tpu.memory_space<vmem>> -> memref<1x80xi32, #tpu.memory_space<vmem>>
        %dma_start3A_103 = tpu.memref_squeeze %dma_start3A_102 : memref<1x80xi32, #tpu.memory_space<vmem>> -> memref<80xi32, #tpu.memory_space<vmem>>
        %dma_start3A_104 = arith.constant 0 : i32
        %dma_start3A_105 = arith.constant 0 : i32
        %dma_start3A_106 = tpu.memref_slice %arg18[%dma_start3A_104, %dma_start3A_105] : memref<10240x128xf32, #tpu.memory_space<vmem_shared>> -> memref<10240x128xf32, #tpu.memory_space<vmem_shared>>
        tpu.enqueue_indirect_dma source(%arg9 : memref<80x128xf32, #tpu.memory_space<vmem>>) target(%dma_start3A_106 : memref<10240x128xf32, #tpu.memory_space<vmem_shared>>) offsets(%dma_start3A_103 : memref<80xi32, #tpu.memory_space<vmem>>) semaphore(%arg14 : memref<!tpu.dma_semaphore, #tpu.memory_space<semaphore_mem>>) {add = true}
        %add3A_107 = arith.constant 0 : i32
        %add3A_108 = arith.addi %add3A_81, %add3A_107 : i32
        %dma_start3A_109 = arith.constant 0 : i32
        %dma_start3A_110 = tpu.memref_slice %arg8[%add3A_108, %dma_start3A_109] : memref<125x80xi32, #tpu.memory_space<vmem>> -> memref<1x80xi32, #tpu.memory_space<vmem>>
        %dma_start3A_111 = tpu.memref_squeeze %dma_start3A_110 : memref<1x80xi32, #tpu.memory_space<vmem>> -> memref<80xi32, #tpu.memory_space<vmem>>
        %dma_start3A_112 = arith.constant 0 : i32
        %dma_start3A_113 = tpu.memref_slice %arg19[%dma_start3A_112] : memref<10240xf32, #tpu.memory_space<vmem_shared>> -> memref<10240xf32, #tpu.memory_space<vmem_shared>>
        tpu.enqueue_indirect_dma source(%arg11 : memref<80xf32, #tpu.memory_space<vmem>>) target(%dma_start3A_113 : memref<10240xf32, #tpu.memory_space<vmem_shared>>) offsets(%dma_start3A_111 : memref<80xi32, #tpu.memory_space<vmem>>) semaphore(%arg16 : memref<!tpu.dma_semaphore, #tpu.memory_space<semaphore_mem>>) {add = true}
        %dma_wait3A_114 = arith.constant 0 : i32
        %dma_wait3A_115 = tpu.memref_slice %arg8[%add3A_100, %dma_wait3A_114] : memref<125x80xi32, #tpu.memory_space<vmem>> -> memref<1x80xi32, #tpu.memory_space<vmem>>
        %dma_wait3A_116 = tpu.memref_squeeze %dma_wait3A_115 : memref<1x80xi32, #tpu.memory_space<vmem>> -> memref<80xi32, #tpu.memory_space<vmem>>
        %dma_wait3A_117 = arith.constant 0 : i32
        %dma_wait3A_118 = arith.constant 0 : i32
        %dma_wait3A_119 = tpu.memref_slice %arg18[%dma_wait3A_117, %dma_wait3A_118] : memref<10240x128xf32, #tpu.memory_space<vmem_shared>> -> memref<10240x128xf32, #tpu.memory_space<vmem_shared>>
        tpu.wait_indirect_dma semaphore(%arg14 : memref<!tpu.dma_semaphore, #tpu.memory_space<semaphore_mem>>) src(%arg9 : memref<80x128xf32, #tpu.memory_space<vmem>>) dst(%dma_wait3A_119 : memref<10240x128xf32, #tpu.memory_space<vmem_shared>>)
        %dma_wait3A_120 = arith.constant 0 : i32
        %dma_wait3A_121 = tpu.memref_slice %arg8[%add3A_108, %dma_wait3A_120] : memref<125x80xi32, #tpu.memory_space<vmem>> -> memref<1x80xi32, #tpu.memory_space<vmem>>
        %dma_wait3A_122 = tpu.memref_squeeze %dma_wait3A_121 : memref<1x80xi32, #tpu.memory_space<vmem>> -> memref<80xi32, #tpu.memory_space<vmem>>
        %dma_wait3A_123 = arith.constant 0 : i32
        %dma_wait3A_124 = tpu.memref_slice %arg19[%dma_wait3A_123] : memref<10240xf32, #tpu.memory_space<vmem_shared>> -> memref<10240xf32, #tpu.memory_space<vmem_shared>>
        tpu.wait_indirect_dma semaphore(%arg16 : memref<!tpu.dma_semaphore, #tpu.memory_space<semaphore_mem>>) src(%arg11 : memref<80xf32, #tpu.memory_space<vmem>>) dst(%dma_wait3A_124 : memref<10240xf32, #tpu.memory_space<vmem_shared>>)
        %add3A_125 = arith.constant 2 : i32
        %add3A_126 = arith.addi %add3A_81, %add3A_125 : i32
        %add3A_127 = arith.constant 0 : i32
        %add3A_128 = arith.addi %add3A_126, %add3A_127 : i32
        %lt3A_129 = arith.constant 125 : i32
        %lt3A_130 = arith.cmpi slt, %add3A_128, %lt3A_129 : i32
        %convert_element_type3A_131 = arith.extui %lt3A_130 : i1 to i32
        %cond3A_132 = arith.constant 0 : i32
        %cond3A_133 = arith.cmpi ne, %convert_element_type3A_131, %cond3A_132 : i32
        scf.if %cond3A_133 {
          %add3A_134 = arith.constant 2 : i32
          %add3A_135 = arith.addi %add3A_81, %add3A_134 : i32
          %add3A_136 = arith.constant 0 : i32
          %add3A_137 = arith.addi %add3A_135, %add3A_136 : i32
          %mul3A_138 = arith.constant 80 : i32
          %mul3A_139 = arith.muli %add3A_137, %mul3A_138 : i32
          %dma_start3A_140 = tpu.memref_slice %arg7[%mul3A_139] : memref<10000xi32, #tpu.memory_space<vmem>> -> memref<80xi32, #tpu.memory_space<vmem>>
          %dma_start3A_141 = arith.constant 0 : i32
          %dma_start3A_142 = arith.constant 0 : i32
          %dma_start3A_143 = tpu.memref_slice %arg2[%dma_start3A_141, %dma_start3A_142] : memref<10000x128xf32, #tpu.memory_space<hbm>> -> memref<10000x128xf32, #tpu.memory_space<hbm>>
          tpu.enqueue_indirect_dma source(%dma_start3A_143 : memref<10000x128xf32, #tpu.memory_space<hbm>>) target(%arg9 : memref<80x128xf32, #tpu.memory_space<vmem>>) offsets(%dma_start3A_140 : memref<80xi32, #tpu.memory_space<vmem>>) semaphore(%arg12 : memref<!tpu.dma_semaphore, #tpu.memory_space<semaphore_mem>>)
        } else {
        }
      } else {
      }
      %add3A_86 = arith.constant 1 : i32
      %add3A_87 = arith.addi %add3A_81, %add3A_86 : i32
      %lt3A_88 = arith.constant 125 : i32
      %lt3A_89 = arith.cmpi slt, %add3A_87, %lt3A_88 : i32
      %convert_element_type3A_90 = arith.extui %lt3A_89 : i1 to i32
      %cond3A_91 = arith.constant 0 : i32
      %cond3A_92 = arith.cmpi ne, %convert_element_type3A_90, %cond3A_91 : i32
      scf.if %cond3A_92 {
        %dma_wait3A_93 = arith.constant 0 : i32
        %dma_wait3A_94 = arith.constant 0 : i32
        %dma_wait3A_95 = tpu.memref_slice %arg2[%dma_wait3A_93, %dma_wait3A_94] : memref<10000x128xf32, #tpu.memory_space<hbm>> -> memref<80x128xf32, #tpu.memory_space<hbm>>
        %dma_wait3A_96 = arith.constant 0 : i32
        %dma_wait3A_97 = arith.constant 0 : i32
        %dma_wait3A_98 = tpu.memref_slice %arg2[%dma_wait3A_96, %dma_wait3A_97] : memref<10000x128xf32, #tpu.memory_space<hbm>> -> memref<80x128xf32, #tpu.memory_space<hbm>>
        tpu.wait_dma2 semaphore(%arg13 : memref<!tpu.dma_semaphore, #tpu.memory_space<semaphore_mem>>) src(%dma_wait3A_98 : memref<80x128xf32, #tpu.memory_space<hbm>>) dst(%arg10 : memref<80x128xf32, #tpu.memory_space<vmem>>)
        %add3A_99 = arith.constant 1 : i32
        %add3A_100 = arith.addi %add3A_81, %add3A_99 : i32
        %dma_start3A_101 = arith.constant 0 : i32
        %dma_start3A_102 = tpu.memref_slice %arg8[%add3A_100, %dma_start3A_101] : memref<125x80xi32, #tpu.memory_space<vmem>> -> memref<1x80xi32, #tpu.memory_space<vmem>>
        %dma_start3A_103 = tpu.memref_squeeze %dma_start3A_102 : memref<1x80xi32, #tpu.memory_space<vmem>> -> memref<80xi32, #tpu.memory_space<vmem>>
        %dma_start3A_104 = arith.constant 0 : i32
        %dma_start3A_105 = arith.constant 0 : i32
        %dma_start3A_106 = tpu.memref_slice %arg18[%dma_start3A_104, %dma_start3A_105] : memref<10240x128xf32, #tpu.memory_space<vmem_shared>> -> memref<10240x128xf32, #tpu.memory_space<vmem_shared>>
        tpu.enqueue_indirect_dma source(%arg10 : memref<80x128xf32, #tpu.memory_space<vmem>>) target(%dma_start3A_106 : memref<10240x128xf32, #tpu.memory_space<vmem_shared>>) offsets(%dma_start3A_103 : memref<80xi32, #tpu.memory_space<vmem>>) semaphore(%arg15 : memref<!tpu.dma_semaphore, #tpu.memory_space<semaphore_mem>>) {add = true}
        %add3A_107 = arith.constant 1 : i32
        %add3A_108 = arith.addi %add3A_81, %add3A_107 : i32
        %dma_start3A_109 = arith.constant 0 : i32
        %dma_start3A_110 = tpu.memref_slice %arg8[%add3A_108, %dma_start3A_109] : memref<125x80xi32, #tpu.memory_space<vmem>> -> memref<1x80xi32, #tpu.memory_space<vmem>>
        %dma_start3A_111 = tpu.memref_squeeze %dma_start3A_110 : memref<1x80xi32, #tpu.memory_space<vmem>> -> memref<80xi32, #tpu.memory_space<vmem>>
        %dma_start3A_112 = arith.constant 0 : i32
        %dma_start3A_113 = tpu.memref_slice %arg19[%dma_start3A_112] : memref<10240xf32, #tpu.memory_space<vmem_shared>> -> memref<10240xf32, #tpu.memory_space<vmem_shared>>
        tpu.enqueue_indirect_dma source(%arg11 : memref<80xf32, #tpu.memory_space<vmem>>) target(%dma_start3A_113 : memref<10240xf32, #tpu.memory_space<vmem_shared>>) offsets(%dma_start3A_111 : memref<80xi32, #tpu.memory_space<vmem>>) semaphore(%arg17 : memref<!tpu.dma_semaphore, #tpu.memory_space<semaphore_mem>>) {add = true}
        %dma_wait3A_114 = arith.constant 0 : i32
        %dma_wait3A_115 = tpu.memref_slice %arg8[%add3A_100, %dma_wait3A_114] : memref<125x80xi32, #tpu.memory_space<vmem>> -> memref<1x80xi32, #tpu.memory_space<vmem>>
        %dma_wait3A_116 = tpu.memref_squeeze %dma_wait3A_115 : memref<1x80xi32, #tpu.memory_space<vmem>> -> memref<80xi32, #tpu.memory_space<vmem>>
        %dma_wait3A_117 = arith.constant 0 : i32
        %dma_wait3A_118 = arith.constant 0 : i32
        %dma_wait3A_119 = tpu.memref_slice %arg18[%dma_wait3A_117, %dma_wait3A_118] : memref<10240x128xf32, #tpu.memory_space<vmem_shared>> -> memref<10240x128xf32, #tpu.memory_space<vmem_shared>>
        tpu.wait_indirect_dma semaphore(%arg15 : memref<!tpu.dma_semaphore, #tpu.memory_space<semaphore_mem>>) src(%arg10 : memref<80x128xf32, #tpu.memory_space<vmem>>) dst(%dma_wait3A_119 : memref<10240x128xf32, #tpu.memory_space<vmem_shared>>)
        %dma_wait3A_120 = arith.constant 0 : i32
        %dma_wait3A_121 = tpu.memref_slice %arg8[%add3A_108, %dma_wait3A_120] : memref<125x80xi32, #tpu.memory_space<vmem>> -> memref<1x80xi32, #tpu.memory_space<vmem>>
        %dma_wait3A_122 = tpu.memref_squeeze %dma_wait3A_121 : memref<1x80xi32, #tpu.memory_space<vmem>> -> memref<80xi32, #tpu.memory_space<vmem>>
        %dma_wait3A_123 = arith.constant 0 : i32
        %dma_wait3A_124 = tpu.memref_slice %arg19[%dma_wait3A_123] : memref<10240xf32, #tpu.memory_space<vmem_shared>> -> memref<10240xf32, #tpu.memory_space<vmem_shared>>
        tpu.wait_indirect_dma semaphore(%arg17 : memref<!tpu.dma_semaphore, #tpu.memory_space<semaphore_mem>>) src(%arg11 : memref<80xf32, #tpu.memory_space<vmem>>) dst(%dma_wait3A_124 : memref<10240xf32, #tpu.memory_space<vmem_shared>>)
        %add3A_125 = arith.constant 2 : i32
        %add3A_126 = arith.addi %add3A_81, %add3A_125 : i32
        %add3A_127 = arith.constant 1 : i32
        %add3A_128 = arith.addi %add3A_126, %add3A_127 : i32
        %lt3A_129 = arith.constant 125 : i32
        %lt3A_130 = arith.cmpi slt, %add3A_128, %lt3A_129 : i32
        %convert_element_type3A_131 = arith.extui %lt3A_130 : i1 to i32
        %cond3A_132 = arith.constant 0 : i32
        %cond3A_133 = arith.cmpi ne, %convert_element_type3A_131, %cond3A_132 : i32
        scf.if %cond3A_133 {
          %add3A_134 = arith.constant 2 : i32
          %add3A_135 = arith.addi %add3A_81, %add3A_134 : i32
          %add3A_136 = arith.constant 1 : i32
          %add3A_137 = arith.addi %add3A_135, %add3A_136 : i32
          %mul3A_138 = arith.constant 80 : i32
          %mul3A_139 = arith.muli %add3A_137, %mul3A_138 : i32
          %dma_start3A_140 = tpu.memref_slice %arg7[%mul3A_139] : memref<10000xi32, #tpu.memory_space<vmem>> -> memref<80xi32, #tpu.memory_space<vmem>>
          %dma_start3A_141 = arith.constant 0 : i32
          %dma_start3A_142 = arith.constant 0 : i32
          %dma_start3A_143 = tpu.memref_slice %arg2[%dma_start3A_141, %dma_start3A_142] : memref<10000x128xf32, #tpu.memory_space<hbm>> -> memref<10000x128xf32, #tpu.memory_space<hbm>>
          tpu.enqueue_indirect_dma source(%dma_start3A_143 : memref<10000x128xf32, #tpu.memory_space<hbm>>) target(%arg10 : memref<80x128xf32, #tpu.memory_space<vmem>>) offsets(%dma_start3A_140 : memref<80xi32, #tpu.memory_space<vmem>>) semaphore(%arg13 : memref<!tpu.dma_semaphore, #tpu.memory_space<semaphore_mem>>)
        } else {
        }
      } else {
      }
    }
    %scan3A_54 = arith.constant 63 : i32
    %barrier3A_55 = arith.constant 0 : index
    tpu.barrier barrier_id(%barrier3A_55)
    %mul3A_56 = arith.constant 640 : i32
    %mul3A_57 = arith.muli %arg1, %mul3A_56 : i32
    %mul3A_58 = arith.constant 640 : i32
    %mul3A_59 = arith.muli %arg1, %mul3A_58 : i32
    %dma_start3A_60 = arith.constant 0 : i32
    %dma_start3A_61 = tpu.memref_slice %arg5[%arg0, %mul3A_59, %dma_start3A_60] : memref<2x10240x128xf32, #tpu.memory_space<hbm>> -> memref<1x640x128xf32, #tpu.memory_space<hbm>>
    %dma_start3A_62 = tpu.memref_squeeze %dma_start3A_61 : memref<1x640x128xf32, #tpu.memory_space<hbm>> -> memref<640x128xf32, #tpu.memory_space<hbm>>
    %dma_start3A_63 = arith.constant 0 : i32
    %dma_start3A_64 = tpu.memref_slice %arg18[%mul3A_57, %dma_start3A_63] : memref<10240x128xf32, #tpu.memory_space<vmem_shared>> -> memref<640x128xf32, #tpu.memory_space<vmem_shared>>
    tpu.enqueue_dma source(%dma_start3A_64 : memref<640x128xf32, #tpu.memory_space<vmem_shared>>) target(%dma_start3A_62 : memref<640x128xf32, #tpu.memory_space<hbm>>) target_semaphore(%arg12 : memref<!tpu.dma_semaphore, #tpu.memory_space<semaphore_mem>>)
    %mul3A_65 = arith.constant 640 : i32
    %mul3A_66 = arith.muli %arg1, %mul3A_65 : i32
    %mul3A_67 = arith.constant 10240 : i32
    %mul3A_68 = arith.muli %arg0, %mul3A_67 : i32
    %mul3A_69 = arith.constant 640 : i32
    %mul3A_70 = arith.muli %arg1, %mul3A_69 : i32
    %add3A_71 = arith.addi %mul3A_68, %mul3A_70 : i32
    "tpu.region"() ({
      %run_scoped3A = tpu.sem_alloc : memref<!tpu.dma_semaphore, #tpu.memory_space<semaphore_mem>>
      %dma_start3A_77 = tpu.memref_slice %arg6[%add3A_71] : memref<20480xf32, #tpu.memory_space<hbm>> -> memref<640xf32, #tpu.memory_space<hbm>>
      %dma_start3A_78 = tpu.memref_slice %arg19[%mul3A_66] : memref<10240xf32, #tpu.memory_space<vmem_shared>> -> memref<640xf32, #tpu.memory_space<vmem_shared>>
      tpu.enqueue_dma source(%dma_start3A_78 : memref<640xf32, #tpu.memory_space<vmem_shared>>) target(%dma_start3A_77 : memref<640xf32, #tpu.memory_space<hbm>>) target_semaphore(%run_scoped3A : memref<!tpu.dma_semaphore, #tpu.memory_space<semaphore_mem>>)
      %dma_wait3A_79 = tpu.memref_slice %arg6[%add3A_71] : memref<20480xf32, #tpu.memory_space<hbm>> -> memref<640xf32, #tpu.memory_space<hbm>>
      %dma_wait3A_80 = tpu.memref_slice %arg19[%mul3A_66] : memref<10240xf32, #tpu.memory_space<vmem_shared>> -> memref<640xf32, #tpu.memory_space<vmem_shared>>
      tpu.wait_dma2 semaphore(%run_scoped3A : memref<!tpu.dma_semaphore, #tpu.memory_space<semaphore_mem>>) src(%dma_wait3A_80 : memref<640xf32, #tpu.memory_space<vmem_shared>>) dst(%dma_wait3A_79 : memref<640xf32, #tpu.memory_space<hbm>>)
      tpu.yield
    }) : () -> ()
    %dma_wait3A_72 = arith.constant 0 : i32
    %dma_wait3A_73 = tpu.memref_slice %arg5[%arg0, %mul3A_59, %dma_wait3A_72] : memref<2x10240x128xf32, #tpu.memory_space<hbm>> -> memref<1x640x128xf32, #tpu.memory_space<hbm>>
    %dma_wait3A_74 = tpu.memref_squeeze %dma_wait3A_73 : memref<1x640x128xf32, #tpu.memory_space<hbm>> -> memref<640x128xf32, #tpu.memory_space<hbm>>
    %dma_wait3A_75 = arith.constant 0 : i32
    %dma_wait3A_76 = tpu.memref_slice %arg18[%mul3A_57, %dma_wait3A_75] : memref<10240x128xf32, #tpu.memory_space<vmem_shared>> -> memref<640x128xf32, #tpu.memory_space<vmem_shared>>
    tpu.wait_dma2 semaphore(%arg12 : memref<!tpu.dma_semaphore, #tpu.memory_space<semaphore_mem>>) src(%dma_wait3A_76 : memref<640x128xf32, #tpu.memory_space<vmem_shared>>) dst(%dma_wait3A_74 : memref<640x128xf32, #tpu.memory_space<hbm>>)
    return
  }
}

module attributes {stable_mosaic.version = 14 : i64} {
  func.func @body(%arg0: i32, %arg1: memref<2x2000x128xf32, #tpu.memory_space<vmem>>, %arg2: memref<2x2000x1xf32, #tpu.memory_space<vmem>>, %arg3: memref<2000x128xf32, #tpu.memory_space<vmem>>, %arg4: memref<128x128xf32, #tpu.memory_space<vmem>>, %arg5: memref<1x128xf32, #tpu.memory_space<vmem>>, %arg6: memref<128x128xf32, #tpu.memory_space<vmem>>, %arg7: memref<2000x128xf32, #tpu.memory_space<vmem>>) attributes {dimension_semantics = [#tpu.dimension_semantics<arbitrary>], iteration_bounds = array<i64: 5>, scalar_prefetch = 0 : i64, scratch_operands = 0 : i64, tpu.core_type = #tpu.core_type<tc>, window_params = [{transform_indices = @transform_0, window_bounds = array<i64: 2, 2000, 128>}, {transform_indices = @transform_1, window_bounds = array<i64: 2, 2000, 1>}, {transform_indices = @transform_2, window_bounds = array<i64: 2000, 128>}, {pipeline_mode = #tpu.pipeline_mode<synchronous>, transform_indices = @transform_3, window_bounds = array<i64: 128, 128>}, {pipeline_mode = #tpu.pipeline_mode<synchronous>, transform_indices = @transform_4, window_bounds = array<i64: 1, 128>}, {pipeline_mode = #tpu.pipeline_mode<synchronous>, transform_indices = @transform_5, window_bounds = array<i64: 128, 128>}, {transform_indices = @transform_6, window_bounds = array<i64: 2000, 128>}]} {
    %get3A = arith.constant 0 : index
    %get3A_0 = arith.constant 0 : index
    %get3A_1 = arith.constant 0 : index
    %get3A_2 = vector.load %arg1[%get3A, %get3A_0, %get3A_1] : memref<2x2000x128xf32, #tpu.memory_space<vmem>>, vector<1x2000x128xf32>
    %get3A_3 = vector.shape_cast %get3A_2 : vector<1x2000x128xf32> to vector<2000x128xf32>
    %get3A_4 = arith.constant 1 : index
    %get3A_5 = arith.constant 0 : index
    %get3A_6 = arith.constant 0 : index
    %get3A_7 = vector.load %arg1[%get3A_4, %get3A_5, %get3A_6] : memref<2x2000x128xf32, #tpu.memory_space<vmem>>, vector<1x2000x128xf32>
    %get3A_8 = vector.shape_cast %get3A_7 : vector<1x2000x128xf32> to vector<2000x128xf32>
    %add3A = arith.addf %get3A_3, %get3A_8 : vector<2000x128xf32>
    %get3A_9 = arith.constant 0 : index
    %get3A_10 = arith.constant 0 : index
    %get3A_11 = arith.constant 0 : index
    %get3A_12 = vector.load %arg2[%get3A_9, %get3A_10, %get3A_11] : memref<2x2000x1xf32, #tpu.memory_space<vmem>>, vector<1x2000x1xf32>
    %get3A_13 = vector.shape_cast %get3A_12 : vector<1x2000x1xf32> to vector<2000x1xf32>
    %get3A_14 = arith.constant 1 : index
    %get3A_15 = arith.constant 0 : index
    %get3A_16 = arith.constant 0 : index
    %get3A_17 = vector.load %arg2[%get3A_14, %get3A_15, %get3A_16] : memref<2x2000x1xf32, #tpu.memory_space<vmem>>, vector<1x2000x1xf32>
    %get3A_18 = vector.shape_cast %get3A_17 : vector<1x2000x1xf32> to vector<2000x1xf32>
    %add3A_19 = arith.addf %get3A_13, %get3A_18 : vector<2000x1xf32>
    %max3A = arith.constant 1.000000e+00 : f32
    %max3A_20 = vector.broadcast %max3A : f32 to vector<2000x1xf32>
    %max3A_21 = arith.maximumf %add3A_19, %max3A_20 : vector<2000x1xf32>
    %div3A = arith.constant 1.000000e+00 : f32
    %div3A_22 = vector.broadcast %div3A : f32 to vector<2000x1xf32>
    %div3A_23 = arith.divf %div3A_22, %max3A_21 : vector<2000x1xf32>
    %mul3A = vector.broadcast %div3A_23 : vector<2000x1xf32> to vector<2000x128xf32>
    %mul3A_24 = arith.mulf %add3A, %mul3A : vector<2000x128xf32>
    %get3A_25 = arith.constant 0 : index
    %get3A_26 = arith.constant 0 : index
    %get3A_27 = vector.load %arg4[%get3A_25, %get3A_26] : memref<128x128xf32, #tpu.memory_space<vmem>>, vector<128x128xf32>
    %dot_general3A = arith.constant dense<0.000000e+00> : vector<2000x128xf32>
    %dot_general3A_28 = tpu.matmul %mul3A_24, %get3A_27, %dot_general3A {dimension_numbers = #tpu.dot_dimension_numbers<[1], [0], [0], [1], [0, 0, 1, 1], [], []>, transpose_lhs_hint = false} : vector<2000x128xf32>, vector<128x128xf32>, vector<2000x128xf32> -> vector<2000x128xf32>
    %get3A_29 = arith.constant 0 : index
    %get3A_30 = arith.constant 0 : index
    %get3A_31 = vector.load %arg3[%get3A_29, %get3A_30] : memref<2000x128xf32, #tpu.memory_space<vmem>>, vector<2000x128xf32>
    %get3A_32 = arith.constant 0 : index
    %get3A_33 = arith.constant 0 : index
    %get3A_34 = vector.load %arg6[%get3A_32, %get3A_33] : memref<128x128xf32, #tpu.memory_space<vmem>>, vector<128x128xf32>
    %dot_general3A_35 = arith.constant dense<0.000000e+00> : vector<2000x128xf32>
    %dot_general3A_36 = tpu.matmul %get3A_31, %get3A_34, %dot_general3A_35 {dimension_numbers = #tpu.dot_dimension_numbers<[1], [0], [0], [1], [0, 0, 1, 1], [], []>, transpose_lhs_hint = false} : vector<2000x128xf32>, vector<128x128xf32>, vector<2000x128xf32> -> vector<2000x128xf32>
    %add3A_37 = arith.addf %dot_general3A_28, %dot_general3A_36 : vector<2000x128xf32>
    %get3A_38 = arith.constant 0 : index
    %get3A_39 = arith.constant 0 : index
    %get3A_40 = vector.load %arg5[%get3A_38, %get3A_39] : memref<1x128xf32, #tpu.memory_space<vmem>>, vector<1x128xf32>
    %add3A_41 = vector.broadcast %get3A_40 : vector<1x128xf32> to vector<2000x128xf32>
    %add3A_42 = arith.addf %add3A_37, %add3A_41 : vector<2000x128xf32>
    %max3A_43 = arith.constant 0.000000e+00 : f32
    %max3A_44 = vector.broadcast %max3A_43 : f32 to vector<2000x128xf32>
    %max3A_45 = arith.maximumf %add3A_42, %max3A_44 : vector<2000x128xf32>
    %swap3A = arith.constant 0 : index
    %swap3A_46 = arith.constant 0 : index
    %swap3A_47 = vector.load %arg7[%swap3A, %swap3A_46] : memref<2000x128xf32, #tpu.memory_space<vmem>>, vector<2000x128xf32>
    tpu.vector_store %arg7[%swap3A, %swap3A_46], %max3A_45 {strides = array<i32>} : memref<2000x128xf32, #tpu.memory_space<vmem>>, vector<2000x128xf32>,
    return
  }
  func.func @transform_0(%arg0: i32) -> (i32, i32, i32) {
    %c0_i32 = arith.constant 0 : i32
    %c0_i32_0 = arith.constant 0 : i32
    %c0_i32_1 = arith.constant 0 : i32
    return %c0_i32, %arg0, %c0_i32_0 : i32, i32, i32
  }
  func.func @transform_1(%arg0: i32) -> (i32, i32, i32) {
    %c0_i32 = arith.constant 0 : i32
    %c0_i32_0 = arith.constant 0 : i32
    %c0_i32_1 = arith.constant 0 : i32
    return %c0_i32, %arg0, %c0_i32_0 : i32, i32, i32
  }
  func.func @transform_2(%arg0: i32) -> (i32, i32) {
    %c0_i32 = arith.constant 0 : i32
    %c0_i32_0 = arith.constant 0 : i32
    return %arg0, %c0_i32 : i32, i32
  }
  func.func @transform_3(%arg0: i32) -> (i32, i32) {
    %c0_i32 = arith.constant 0 : i32
    %c0_i32_0 = arith.constant 0 : i32
    %c0_i32_1 = arith.constant 0 : i32
    return %c0_i32, %c0_i32_0 : i32, i32
  }
  func.func @transform_4(%arg0: i32) -> (i32, i32) {
    %c0_i32 = arith.constant 0 : i32
    %c0_i32_0 = arith.constant 0 : i32
    %c0_i32_1 = arith.constant 0 : i32
    return %c0_i32, %c0_i32_0 : i32, i32
  }
  func.func @transform_5(%arg0: i32) -> (i32, i32) {
    %c0_i32 = arith.constant 0 : i32
    %c0_i32_0 = arith.constant 0 : i32
    %c0_i32_1 = arith.constant 0 : i32
    return %c0_i32, %c0_i32_0 : i32, i32
  }
  func.func @transform_6(%arg0: i32) -> (i32, i32) {
    %c0_i32 = arith.constant 0 : i32
    %c0_i32_0 = arith.constant 0 : i32
    return %arg0, %c0_i32 : i32, i32
  }
}

module attributes {stable_mosaic.version = 14 : i64} {
  func.func @body(%arg0: i32, %arg1: memref<2x2000x128xf32, #tpu.memory_space<vmem>>, %arg2: memref<2x2000x1xf32, #tpu.memory_space<vmem>>, %arg3: memref<2000x128xf32, #tpu.memory_space<vmem>>, %arg4: memref<128x128xf32, #tpu.memory_space<vmem>>, %arg5: memref<1x128xf32, #tpu.memory_space<vmem>>, %arg6: memref<128x128xf32, #tpu.memory_space<vmem>>, %arg7: memref<2000x128xf32, #tpu.memory_space<vmem>>) attributes {dimension_semantics = [#tpu.dimension_semantics<arbitrary>], iteration_bounds = array<i64: 5>, scalar_prefetch = 0 : i64, scratch_operands = 0 : i64, tpu.core_type = #tpu.core_type<tc>, window_params = [{transform_indices = @transform_0, window_bounds = array<i64: 2, 2000, 128>}, {transform_indices = @transform_1, window_bounds = array<i64: 2, 2000, 1>}, {transform_indices = @transform_2, window_bounds = array<i64: 2000, 128>}, {pipeline_mode = #tpu.pipeline_mode<synchronous>, transform_indices = @transform_3, window_bounds = array<i64: 128, 128>}, {pipeline_mode = #tpu.pipeline_mode<synchronous>, transform_indices = @transform_4, window_bounds = array<i64: 1, 128>}, {pipeline_mode = #tpu.pipeline_mode<synchronous>, transform_indices = @transform_5, window_bounds = array<i64: 128, 128>}, {transform_indices = @transform_6, window_bounds = array<i64: 2000, 128>}]} {
    %get3A = arith.constant 0 : index
    %get3A_0 = arith.constant 0 : index
    %get3A_1 = arith.constant 0 : index
    %get3A_2 = vector.load %arg1[%get3A, %get3A_0, %get3A_1] : memref<2x2000x128xf32, #tpu.memory_space<vmem>>, vector<1x2000x128xf32>
    %get3A_3 = vector.shape_cast %get3A_2 : vector<1x2000x128xf32> to vector<2000x128xf32>
    %get3A_4 = arith.constant 1 : index
    %get3A_5 = arith.constant 0 : index
    %get3A_6 = arith.constant 0 : index
    %get3A_7 = vector.load %arg1[%get3A_4, %get3A_5, %get3A_6] : memref<2x2000x128xf32, #tpu.memory_space<vmem>>, vector<1x2000x128xf32>
    %get3A_8 = vector.shape_cast %get3A_7 : vector<1x2000x128xf32> to vector<2000x128xf32>
    %add3A = arith.addf %get3A_3, %get3A_8 : vector<2000x128xf32>
    %get3A_9 = arith.constant 0 : index
    %get3A_10 = arith.constant 0 : index
    %get3A_11 = arith.constant 0 : index
    %get3A_12 = vector.load %arg2[%get3A_9, %get3A_10, %get3A_11] : memref<2x2000x1xf32, #tpu.memory_space<vmem>>, vector<1x2000x1xf32>
    %get3A_13 = vector.shape_cast %get3A_12 : vector<1x2000x1xf32> to vector<2000x1xf32>
    %get3A_14 = arith.constant 1 : index
    %get3A_15 = arith.constant 0 : index
    %get3A_16 = arith.constant 0 : index
    %get3A_17 = vector.load %arg2[%get3A_14, %get3A_15, %get3A_16] : memref<2x2000x1xf32, #tpu.memory_space<vmem>>, vector<1x2000x1xf32>
    %get3A_18 = vector.shape_cast %get3A_17 : vector<1x2000x1xf32> to vector<2000x1xf32>
    %add3A_19 = arith.addf %get3A_13, %get3A_18 : vector<2000x1xf32>
    %max3A = arith.constant 1.000000e+00 : f32
    %max3A_20 = vector.broadcast %max3A : f32 to vector<2000x1xf32>
    %max3A_21 = arith.maximumf %add3A_19, %max3A_20 : vector<2000x1xf32>
    %div3A = arith.constant 1.000000e+00 : f32
    %div3A_22 = vector.broadcast %div3A : f32 to vector<2000x1xf32>
    %div3A_23 = arith.divf %div3A_22, %max3A_21 : vector<2000x1xf32>
    %mul3A = vector.broadcast %div3A_23 : vector<2000x1xf32> to vector<2000x128xf32>
    %mul3A_24 = arith.mulf %add3A, %mul3A : vector<2000x128xf32>
    %get3A_25 = arith.constant 0 : index
    %get3A_26 = arith.constant 0 : index
    %get3A_27 = vector.load %arg4[%get3A_25, %get3A_26] : memref<128x128xf32, #tpu.memory_space<vmem>>, vector<128x128xf32>
    %dot_general3A = arith.constant dense<0.000000e+00> : vector<2000x128xf32>
    %dot_general3A_28 = tpu.matmul %mul3A_24, %get3A_27, %dot_general3A {dimension_numbers = #tpu.dot_dimension_numbers<[1], [0], [0], [1], [0, 0, 1, 1], [], []>, transpose_lhs_hint = false} : vector<2000x128xf32>, vector<128x128xf32>, vector<2000x128xf32> -> vector<2000x128xf32>
    %get3A_29 = arith.constant 0 : index
    %get3A_30 = arith.constant 0 : index
    %get3A_31 = vector.load %arg3[%get3A_29, %get3A_30] : memref<2000x128xf32, #tpu.memory_space<vmem>>, vector<2000x128xf32>
    %get3A_32 = arith.constant 0 : index
    %get3A_33 = arith.constant 0 : index
    %get3A_34 = vector.load %arg6[%get3A_32, %get3A_33] : memref<128x128xf32, #tpu.memory_space<vmem>>, vector<128x128xf32>
    %dot_general3A_35 = arith.constant dense<0.000000e+00> : vector<2000x128xf32>
    %dot_general3A_36 = tpu.matmul %get3A_31, %get3A_34, %dot_general3A_35 {dimension_numbers = #tpu.dot_dimension_numbers<[1], [0], [0], [1], [0, 0, 1, 1], [], []>, transpose_lhs_hint = false} : vector<2000x128xf32>, vector<128x128xf32>, vector<2000x128xf32> -> vector<2000x128xf32>
    %add3A_37 = arith.addf %dot_general3A_28, %dot_general3A_36 : vector<2000x128xf32>
    %get3A_38 = arith.constant 0 : index
    %get3A_39 = arith.constant 0 : index
    %get3A_40 = vector.load %arg5[%get3A_38, %get3A_39] : memref<1x128xf32, #tpu.memory_space<vmem>>, vector<1x128xf32>
    %add3A_41 = vector.broadcast %get3A_40 : vector<1x128xf32> to vector<2000x128xf32>
    %add3A_42 = arith.addf %add3A_37, %add3A_41 : vector<2000x128xf32>
    %reduce_max3A = arith.constant dense<0xFF800000> : vector<2000xf32>
    %reduce_max3A_43 = vector.multi_reduction <maximumf>, %add3A_42, %reduce_max3A [1] : vector<2000x128xf32> to vector<2000xf32>
    %broadcast_in_dim3A = vector.shape_cast %reduce_max3A_43 : vector<2000xf32> to vector<2000x1xf32>
    %sub3A = vector.broadcast %broadcast_in_dim3A : vector<2000x1xf32> to vector<2000x128xf32>
    %sub3A_44 = arith.subf %add3A_42, %sub3A : vector<2000x128xf32>
    %exp3A = math.exp %sub3A_44 : vector<2000x128xf32>
    %reduce_sum3A = arith.constant dense<0.000000e+00> : vector<2000xf32>
    %reduce_sum3A_45 = vector.multi_reduction <add>, %exp3A, %reduce_sum3A [1] : vector<2000x128xf32> to vector<2000xf32>
    %broadcast_in_dim3A_46 = vector.shape_cast %reduce_sum3A_45 : vector<2000xf32> to vector<2000x1xf32>
    %log3A = math.log %broadcast_in_dim3A_46 : vector<2000x1xf32>
    %add3A_47 = arith.addf %log3A, %broadcast_in_dim3A : vector<2000x1xf32>
    %sub3A_48 = vector.broadcast %add3A_47 : vector<2000x1xf32> to vector<2000x128xf32>
    %sub3A_49 = arith.subf %add3A_42, %sub3A_48 : vector<2000x128xf32>
    %swap3A = arith.constant 0 : index
    %swap3A_50 = arith.constant 0 : index
    %swap3A_51 = vector.load %arg7[%swap3A, %swap3A_50] : memref<2000x128xf32, #tpu.memory_space<vmem>>, vector<2000x128xf32>
    tpu.vector_store %arg7[%swap3A, %swap3A_50], %sub3A_49 {strides = array<i32>} : memref<2000x128xf32, #tpu.memory_space<vmem>>, vector<2000x128xf32>,
    return
  }
  func.func @transform_0(%arg0: i32) -> (i32, i32, i32) {
    %c0_i32 = arith.constant 0 : i32
    %c0_i32_0 = arith.constant 0 : i32
    %c0_i32_1 = arith.constant 0 : i32
    return %c0_i32, %arg0, %c0_i32_0 : i32, i32, i32
  }
  func.func @transform_1(%arg0: i32) -> (i32, i32, i32) {
    %c0_i32 = arith.constant 0 : i32
    %c0_i32_0 = arith.constant 0 : i32
    %c0_i32_1 = arith.constant 0 : i32
    return %c0_i32, %arg0, %c0_i32_0 : i32, i32, i32
  }
  func.func @transform_2(%arg0: i32) -> (i32, i32) {
    %c0_i32 = arith.constant 0 : i32
    %c0_i32_0 = arith.constant 0 : i32
    return %arg0, %c0_i32 : i32, i32
  }
  func.func @transform_3(%arg0: i32) -> (i32, i32) {
    %c0_i32 = arith.constant 0 : i32
    %c0_i32_0 = arith.constant 0 : i32
    %c0_i32_1 = arith.constant 0 : i32
    return %c0_i32, %c0_i32_0 : i32, i32
  }
  func.func @transform_4(%arg0: i32) -> (i32, i32) {
    %c0_i32 = arith.constant 0 : i32
    %c0_i32_0 = arith.constant 0 : i32
    %c0_i32_1 = arith.constant 0 : i32
    return %c0_i32, %c0_i32_0 : i32, i32
  }
  func.func @transform_5(%arg0: i32) -> (i32, i32) {
    %c0_i32 = arith.constant 0 : i32
    %c0_i32_0 = arith.constant 0 : i32
    %c0_i32_1 = arith.constant 0 : i32
    return %c0_i32, %c0_i32_0 : i32, i32
  }
  func.func @transform_6(%arg0: i32) -> (i32, i32) {
    %c0_i32 = arith.constant 0 : i32
    %c0_i32_0 = arith.constant 0 : i32
    return %arg0, %c0_i32 : i32, i32
  }
}

</mosaic_0001>

<sc_bundles>
// kernel: kernel.6.cloned.1.call-start
scs
__scs_entry_jumppad:
0x0: {  	(pc) =	sbr.rel $0x88, $3  }
0x1: {  	(tag) =	ssettag $0x0;
	lr =	simm.s32 $0x1  }
0x2: {  	[smem:$0x3F99] =	sst lr;
	_ =	strace $0xD0000000  }
0x3: {  	_ = 	snop  }
0x4: {  	_ = 	snop  }
0x5: {  	_ = 	snop  }
0x6: {  	_ = 	snop  }
0x7: {  	_ = 	snop  }
__scs_overlays_trampoline_lowered:
0x8: {  	[smem:$0x3FA8] =	sst s0  }
0x9: {  	[smem:$0x3FA9] =	sst s1  }
0xa: {  	[smem:$0x3FAA] =	sst s2  }
0xb: {  	[smem:$0x3FAB] =	sst s3  }
0xc: {  	[smem:$0x3FAC] =	sst s4  }
0xd: {  	[smem:$0x3FAD] =	sst s5  }
0xe: {  	[smem:$0x3FAE] =	sst s6  }
0xf: {  	[smem:$0x3FAF] =	sst s7  }
0x10: {  	[smem:$0x3FB0] =	sst s8  }
0x11: {  	[smem:$0x3FB1] =	sst s9;
	s0 =	simm.s32 @!p0 $0x0  }
0x12: {  	s1 =	sld [smem:$0x3F97];
	s0 =	simm.s32 @p0 $0x1  }
0x13: {  	[smem:$0x3FB2] =	sst s0;
	s0 =	simm.s32 @!p1 $0x0  }
0x14: {  	s2 =	sld [smem:$0x3F96];
	s0 =	simm.s32 @p1 $0x1  }
0x15: {  	[smem:$0x3FB3] =	sst s0;
	s0 =	simm.s32 @!p2 $0x0  }
0x16: {  	s3 =	sld [smem:$0x3FDB];
	s0 =	simm.s32 @p2 $0x1  }
0x17: {  	s4 =	simm.s32 $0x1BF5;
	[smem:$0x3FB5] =	sst s0  }
0x18: {  	s0 =	sld [smem:$0x3F98];
	_ =	swait.ge [sflag:s4], $0x0  }
0x19: {  	s7 =	sld [smem:$0x3F99]  }
0x1a: {  	s8 =	sadd.s32 $0xFFFFE003, lr  }
0x1b: {  	s9 =	sadd.s32 $0xFFFFFEF7, lr;
	s5 =	simm.s32 $0xFFFFFFFF;
	p2 =	slt.u32 s8, $0xFFFFF086  }
0x1c: {  	p1 =	slt.u32 s9, $0xF7A;
	s5 =	simm.s32 @!p2 $0x0  }
0x1d: {  	s5 =	simm.s32 @p1 $0x1;
	p0 =	seq.s32 s7, s2  }
0x1e: {  	s7 =	smul.u32 @!p0 $0xF7A, s2;
	p2 =	seq.s32 @!p0 s5, $0x0  }
0x1f: {  	s9 =	smul.u32 $0xF7A, s1;
	s8 =	simm.s32 @!p0 $0x1BF5;
	p2 =	por !p2, p0  }
0x20: {  	[sflag:s8] =	ssyncset.s32 @!p0 $0xFFFFF086;
	s6 =	sadd.s32 @!p0 s3, s7;
	s7 =	simm.s32 @!p0 $0x108  }
0x21: {  	s3 =	sadd.s32 s3, s9;
	s6 =	sadd.s32 @!p0 $0x88, s6;
	s7 =	simm.s32 @p2 $0x1082  }
0x22: {  	[simem:s7], [sflag:s8] =	dma.local @!p0 [hbm:s6], $0xF7A  }
0x23: {  	s9 =	sor.u32 $0xD0000000, s2;
	s6 =	simm.s32 $0x108;
	_ =	swait.ge @!p0 [sflag:s8], $0x0  }
0x24: {  	s3 =	sadd.s32 $0x88, s3;
	s6 =	simm.s32 @!p1 $0x1082;
	[sflag:s4] =	ssyncset.s32 $0xFFFFF086  }
0x25: {  	[simem:s6], [sflag:s4] =	dma.local [hbm:s3], $0xF7A  }
0x26: {  	[smem:$0x3F99] =	sst s1;
	(tag) =	ssettag s2;
	_ =	strace s9  }
0x27: {  	s1 =	sld [smem:$0x3FA9]  }
0x28: {  	s2 =	sld [smem:$0x3FAA]  }
0x29: {  	s4 =	sld [smem:$0x3FAC]  }
0x2a: {  	p0 =	seq.s32 s5, $0x0;
	s5 =	sld [smem:$0x3FAD]  }
0x2b: {  	s6 =	sld [smem:$0x3FAE]  }
0x2c: {  	s7 =	sld [smem:$0x3FAF]  }
0x2d: {  	s3 =	simm.s32 $0x108;
	s8 =	sld [smem:$0x3FB0]  }
0x2e: {  	s3 =	simm.s32 @!p0 $0x1082;
	s9 =	sld [smem:$0x3FB1]  }
0x2f: {  	lr =	sadd.s32 s0, s3;
	s0 =	sld [smem:$0x3FA8]  }
0x30: {  	s3 =	sld [smem:$0x3FAB]  }
0x31: {  	[smem:$0x3FB4] =	sst s10  }
0x32: {  	s10 =	sld [smem:$0x3FB2];
	_ =	sdelay $0x3  }
0x33: {  	p0 =	seq.s32 s10, $0x1;
	s10 =	sld [smem:$0x3FB4];
	_ =	sdelay $0x3  }
0x34: {  	[smem:$0x3FB4] =	sst s10  }
0x35: {  	s10 =	sld [smem:$0x3FB3];
	_ =	sdelay $0x3  }
0x36: {  	p1 =	seq.s32 s10, $0x1;
	s10 =	sld [smem:$0x3FB4];
	_ =	sdelay $0x3  }
0x37: {  	[smem:$0x3FB4] =	sst s10  }
0x38: {  	s10 =	sld [smem:$0x3FB5]  }
0x39: {  	_ = 	snop;
	(pc) =	sbr.ind lr, $3  }
0x3a: {  	_ = 	snop  }
0x3b: {  	_ = 	snop  }
0x3c: {  	p2 =	seq.s32 s10, $0x1;
	s10 =	sld [smem:$0x3FB4]  }
0x3d: {  	_ =	shalt  }
0x3e: {  	_ =	shalt  }
0x3f: {  	_ =	shalt  }
0x40: {  	_ =	shalt  }
0x41: {  	_ =	shalt  }
0x42: {  	_ =	shalt  }
0x43: {  	_ =	shalt  }
0x44: {  	_ =	shalt  }
0x45: {  	_ =	shalt  }
0x46: {  	_ =	shalt  }
0x47: {  	_ =	shalt  }
0x48: {  	_ =	shalt  }
0x49: {  	_ =	shalt  }
0x4a: {  	_ =	shalt  }
0x4b: {  	_ =	shalt  }
0x4c: {  	_ =	shalt  }
0x4d: {  	_ =	shalt  }
0x4e: {  	_ =	shalt  }
0x4f: {  	_ =	shalt  }
0x50: {  	_ =	shalt  }
0x51: {  	_ =	shalt  }
0x52: {  	_ =	shalt  }
0x53: {  	_ =	shalt  }
0x54: {  	_ =	shalt  }
0x55: {  	_ =	shalt  }
0x56: {  	_ =	shalt  }
0x57: {  	_ =	shalt  }
0x58: {  	_ =	shalt  }
0x59: {  	_ =	shalt  }
0x5a: {  	_ =	shalt  }
0x5b: {  	_ =	shalt  }
0x5c: {  	_ =	shalt  }
0x5d: {  	_ =	shalt  }
0x5e: {  	_ =	shalt  }
0x5f: {  	_ =	shalt  }
0x60: {  	_ =	shalt  }
0x61: {  	_ =	shalt  }
0x62: {  	_ =	shalt  }
0x63: {  	_ =	shalt  }
0x64: {  	_ =	shalt  }
0x65: {  	_ =	shalt  }
0x66: {  	_ =	shalt  }
0x67: {  	_ =	shalt  }
0x68: {  	_ =	shalt  }
0x69: {  	_ =	shalt  }
0x6a: {  	_ =	shalt  }
0x6b: {  	_ =	shalt  }
0x6c: {  	_ =	shalt  }
0x6d: {  	_ =	shalt  }
0x6e: {  	_ =	shalt  }
0x6f: {  	_ =	shalt  }
0x70: {  	_ =	shalt  }
0x71: {  	_ =	shalt  }
0x72: {  	_ =	shalt  }
0x73: {  	_ =	shalt  }
0x74: {  	_ =	shalt  }
0x75: {  	_ =	shalt  }
0x76: {  	_ =	shalt  }
0x77: {  	_ =	shalt  }
0x78: {  	_ =	shalt  }
0x79: {  	_ =	shalt  }
0x7a: {  	_ =	shalt  }
0x7b: {  	_ =	shalt  }
0x7c: {  	_ =	shalt  }
0x7d: {  	_ =	shalt  }
0x7e: {  	_ =	shalt  }
0x7f: {  	_ =	shalt  }
0x80: {  	_ =	shalt  }
0x81: {  	_ =	shalt  }
0x82: {  	_ =	shalt  }
0x83: {  	_ =	shalt  }
0x84: {  	_ =	shalt  }
0x85: {  	_ =	shalt  }
0x86: {  	_ =	shalt  }
0x87: {  	_ =	shalt  }
.Lfunc_end0:
.L_simem_size_0:
called_computation_lowered:
.L_overlay_start_0:
0x88: {  	s2 =	sld [smem:$0x3FD9]  }
0x89: {  	s3 =	sld [smem:$0x3FFE];
	_ =	sdelay $0x1  }
0x8a: {  	s1 =	srdreg.scid  }
0x8b: {  	s0 =	sand.u32 $0x1, s1  }
0x8c: {  	s17 =	sshll.u32 s0, $0xA;
	s2 =	sadd.s32 s3, s2  }
0x8d: {  	s2 =	sadd.s32 s2, s17  }
0x8e: {  	[smem:$0x3FC0] =	sst s2  }
0x8f: {  	_ = 	snop  }
0x90: {  	s2 =	sld [smem:$0x3FC9]  }
0x91: {  	s18 =	sld [smem:$0x3FD0];
	(tm) =	ssettm $0x1  }
0x92: {  	s4 =	sld [smem:$0x3FFB];
	_ =	sdelay $0x3  }
0x93: {  	_ =	strace s4  }
0x94: {  	s4 =	sld [smem:$0x3FFC];
	_ =	sdelay $0x3  }
0x95: {  	_ =	strace s4  }
0x96: {  	s4 =	sld [smem:$0x3FFD];
	_ =	sdelay $0x3  }
0x97: {  	_ =	strace s4  }
0x98: {  	_ =	strace $0x8FFFFFFF  }
0x99: {  	s19 =	sld [smem:$0x3FDB];
	_ =	sdelay $0x1  }
0x9a: {  	s5 =	simm.s32 $_scs_section_size  }
0x9b: {  	s6 =	simm.s32 $_size__tile_overlayer_lowered;
	s7 =	simm.s32 $_tile_overlayer_lowered  }
0x9c: {  	s22 =	simm.s32 $0x1BFF;
	s21 =	sshll.u32 s7, $0x1;
	s4 =	sadd.s32 s5, s19  }
0x9d: {  	s8 =	simm.s32 $0x0;
	s20 =	sshll.u32 s6, $0x1;
	s6 =	sadd.s32 s21, s4  }
0x9e: {  	[timem:s8], [sflag:s22] =	dma.local [hbm:s6], s20  }
0x9f: {  	_ =	swait.ge [sflag:s22], s20  }
0xa0: {  	s5 =	ssub.s32 $0x0, s20;
	[sflag:s22] =	ssyncset.done $0x0  }
0xa1: {  	[sflag:s22] =	ssyncadd.s32 s5;
	_ =	sdelay $0x1  }
0xa2: {  	s23 =	simm.s32 $0x1B8B  }
0xa3: {  	_ =	swait.ge [sflag:s23], $0x1  }
0xa4: {  	[sflag:s23] =	ssyncset.done $0x0  }
0xa5: {  	s25 =	simm.s32 $0x1B8E;
	s24 =	sld [smem:$0x3FFE];
	[sflag:s23] =	ssyncadd.s32 $0xFFFFFFFF  }
0xa6: {  	s26 =	simm.s32 $execute0_lowered;
	[smem:$0x3FD2] =	sst s25  }
0xa7: {  	s6 =	sshll.u32 s26, $0x1;
	_ =	strace $0x80000046;
	[dreg:$0x1] =	wrdreg $0xFFFFFFFF  }
0xa8: {  	s28 =	simm.s32 $_size_execute0_lowered;
	s4 =	sadd.s32 s4, s6;
	[dreg:$0x0] =	wrdreg $0x0  }
0xa9: {  	s6 =	sshll.u32 s28, $0x1;
	[dreg:$0x2] =	wrdreg s4  }
0xaa: {  	[dreg:$0x3] =	wrdreg s6  }
0xab: {  	[dreg:$0x4] =	wrdreg $0xC0  }
0xac: {  	_ =	task [dreg:s8], $0x5FFFF  }
0xad: {  	[dreg:$0x1] =	wrdreg $0xFFFFFFFF  }
0xae: {  	[dreg:$0x0] =	wrdreg $0x60  }
0xaf: {  	[dreg:$0x2] =	wrdreg s2  }
0xb0: {  	[dreg:$0x3] =	wrdreg s24  }
0xb1: {  	[dreg:$0x4] =	wrdreg s18  }
0xb2: {  	[dreg:$0x5] =	wrdreg $0xB8000  }
0xb3: {  	[dreg:$0x6] =	wrdreg $0x1F8000  }
0xb4: {  	[dreg:$0x7] =	wrdreg $0x9  }
0xb5: {  	_ =	task.clear_ibuf [dreg:s8], $0x8FFFF;
	_ =	strace $0x90000046  }
0xb6: {  	s29 =	simm.s32 $0x9;
	_ =	strace $0x80000048  }
0xb7: {  	_ =	swait.ge [sflag:s29], $0x1  }
0xb8: {  	[sflag:s29] =	ssyncadd.s32 $0xFFFFFFFF  }
0xb9: {  	_ =	strace $0x90000048  }
0xba: {  	_ =	sfence  }
0xbb: {  	s30 =	sld [smem:$0x0];
	_ =	sdelay $0x2  }
0xbc: {  	s31 =	sshll.u32 s1, $0xD;
	s1 =	sshrl.u32 s1, $0x2  }
0xbd: {  	s3 =	sand.u32 $0x4000, s31;
	s1 =	sadd.s32 s1, s30  }
0xbe: {  	s0 =	sor.u32 s3, s0;
	s1 =	sshll.u32 s1, $0x11  }
0xbf: {  	s0 =	sor.u32 s1, s0  }
0xc0: {  	s0 =	sadd.s32 $0x8F2B, s0  }
0xc1: {  	[sflag:s0] =	ssyncadd.remote.s32 $0x1  }
0xc2: {  	_ =	sfence.sel $0xFFFF  }
0xc3: {  	[dreg:$0x0] =	wrdreg $0xFFFFFFFF;
	(pc) =	sbr.abs _section_cstart, $3  }
0xc4: {  	[dreg:$0x1] =	wrdreg $0xFFFFFFFF  }
0xc5: {  	_ =	task.clear_ibuf [dreg:s8], $0x2FFFF;
	_ =	strace $0x9FFFFFFF  }
0xc6: {  	(tm) =	ssettm $0x7FFFFFFF  }
0xc7: {  	_ =	shalt  }
tec
execute0_lowered:
.L_overlay_start_1:
0x0: {  	(tag) =	ssettag $0x1  }
0x1: {  	s0 =	rddreg [dreg:$0x0]  }
0x2: {  	s2 =	rddreg [dreg:$0x1]  }
0x3: {  	s1 =	srdreg.scid;
	s5 =	rddreg [dreg:$0x2]  }
0x4: {  	s12 =	stileid.u32;
	s3 =	rddreg [dreg:$0x3]  }
0x5: {  	s9 =	simm.s32 $0x0;
	s28 =	simm.s32 $0x7;
	s11 =	smul.u32 $0x14000, s12  }
0x6: {  	s29 =	simm.s32 $0x2;
	s30 =	simm.s32 $0x3;
	s10 =	smul.u32 $0x280, s12  }
0x7: {  	s31 =	simm.s32 $0x50;
	s1 =	sand.u32 $0x1, s1;
	s21 =	smul.u32 $0xA00, s12  }
0x8: {  	[smem:$0x7FF] =	sst s9;
	s4 =	sshll.u32 s1, $0x4;
	s8 =	smul.u32 $0x140000, s1  }
0x9: {  	s13 =	ssub.s32 $0x2, s1;
	s1 =	smul.u32 $0x2800, s1;
	s6 =	sor.u32 s12, s4  }
0xa: {  	s4 =	rddreg [dreg:$0x4];
	_ =	strace $0x80000047;
	s14 =	sshrl.u32 s13, $0x1  }
0xb: {  	s7 =	smul.u32 $0x4E2, s6;
	s6 =	sshll.u32 s6, $0xB;
	s8 =	sadd.s32 s11, s8  }
0xc: {  	s11 =	smul.u32 $0x50000, s12;
	s1 =	sadd.s32 s10, s1;
	s16 =	sadd.s32 s10, s4  }
0xd: {  	s10 =	simm.s32 $0x6500;
	s12 =	simm.s32 $0x0;
	s6 =	sadd.s32 s6, s2  }
0xe: {  	s8 =	sshrl.u32 s8, $0x3;
	s1 =	sshrl.u32 s1, $0x3;
	s7 =	sadd.s32 s7, s2  }
0xf: {  	s2 =	sadd.s32 s8, s2;
	s8 =	ssub.s32 s13, s14;
	s6 =	sadd.s32 $0xBE00, s6  }
0x10: {  	s15 =	sshrl.u32 s11, $0x2;
	s1 =	sadd.s32 s5, s1;
	[dreg:$0x7] =	wrdreg s6  }
0x11: {  	s5 =	simm.s32 $0x5;
	s7 =	sadd.s32 $0x2000, s7;
	[dreg:$0x9] =	wrdreg s1  }
0x12: {  	s11 =	simm.s32 $0x6580;
	s2 =	sadd.s32 $0x1BE00, s2;
	[dreg:$0x6] =	wrdreg s7  }
0x13: {  	s9 =	sadd.s32 s15, s3;
	s20 =	smax.u32 s8, $0x1;
	[dreg:$0x8] =	wrdreg s2  }
0x14: {  	s1 =	simm.s32 $0xB780;
	[dreg:$0xa] =	wrdreg s20;
	s22 =	sadd.s32 $0x2800, s9  }
0x15: {  	s6 =	simm.s32 $0x4;
	s23 =	sadd.s32 $0x5000, s9;
	[dreg:$0xb] =	wrdreg s22  }
0x16: {  	s8 =	simm.s32 $0x6480;
	s24 =	sadd.s32 $0x7800, s9;
	[dreg:$0xc] =	wrdreg s23  }
0x17: {  	s25 =	sadd.s32 $0xA000, s9;
	s26 =	sadd.s32 $0xC800, s9;
	[dreg:$0xd] =	wrdreg s24  }
0x18: {  	s2 =	sshrl.u32 s21, $0x2;
	s17 =	sadd.s32 $0xF000, s9;
	[dreg:$0xe] =	wrdreg s25  }
0x19: {  	s18 =	sadd.s32 $0x11800, s9;
	s7 =	simm.s32 $0x6;
	[dreg:$0xf] =	wrdreg s26  }
0x1a: {  	s19 =	sadd.s32 s2, s4;
	s25 =	sshrl.u32 s16, $0x3;
	s26 =	simm.s32 $0x6780  }
0x1b: {  	s2 =	simm.s32 $0x8F80;
	s24 =	simm.s32 $0x1;
	s20 =	sadd.s32 $0x80, s19  }
0x1c: {  	v0 =	vimm.f32 $0.0e+00;
	v1 =	vimm.f32 $1.000000000e+00;
	s21 =	sadd.s32 $0x100, s19;
	s22 =	sadd.s32 $0x180, s19;
	s23 =	sadd.s32 $0x200, s19  }
.LBB2_1:
0x1d: {  	s13 =	simm.s32 $0x0;
	s14 =	rddreg [dreg:$0x6]  }
0x1e: {  	[tilespmem:s13], [sflag:$0x2] =	stream.linear.gather [hbm4b:s14+s13], $0x2710, $0x38;
	[tilespmem:$0x1FA80] =	vst v63  }
0x1f: {  	s16 =	rddreg [dreg:$0x7];
	s15 =	simm.s32 $0x2780  }
0x20: {  	[tilespmem:s15], [sflag:$0x3] =	stream.linear.gather [hbm4b:s16+s13], $0x3E80, $0x38;
	[tilespmem:$0x1FA80] =	vst v63  }
0x21: {  	s14 =	simm.s32 $0x200;
	s13 =	simm.s32 $0x0  }
.LBB2_2:
0x22: {  	p0 =	sne.s32 s14, $0x9E00;
	[tilespmem:s13+$0x67F0] =	vst v0  }
0x23: {  	[tilespmem:s13+$0x6780] =	vst v0  }
0x24: {  	[tilespmem:s13+$0x6790] =	vst v0  }
.Ltmp0:
0x25: {  	[tilespmem:s13+$0x67A0] =	vst v0;
	(pc) =	sbr.rel @p0 .LBB2_2-.Ltmp0, $4  }
0x26: {  	[tilespmem:s13+$0x67B0] =	vst v0  }
0x27: {  	[tilespmem:s13+$0x67C0] =	vst v0  }
0x28: {  	[tilespmem:s13+$0x67D0] =	vst v0  }
0x29: {  	[tilespmem:s13+$0x67E0] =	vst v0;
	s13 =	sshra.s32 s14, $0x2;
	s14 =	sadd.s32 $0x200, s14  }
0x2a: {  	[tilespmem:s13+$0x67F0] =	vst v0  }
0x2b: {  	[tilespmem:s13+$0x6780] =	vst v0  }
0x2c: {  	[tilespmem:s13+$0x6790] =	vst v0  }
0x2d: {  	[tilespmem:s13+$0x67A0] =	vst v0  }
0x2e: {  	[tilespmem:s13+$0x67B0] =	vst v0  }
0x2f: {  	[tilespmem:s13+$0x67C0] =	vst v0  }
0x30: {  	[tilespmem:s13+$0x67D0] =	vst v0  }
0x31: {  	[tilespmem:s13+$0x67E0] =	vst v0  }
0x32: {  	[spmem:s9] =	stream.linear.scatter [tilespmem:s26], [sflag:$0x7], $0x2800, $0x38;
	[tilespmem:$0x1FA80] =	vst v63  }
0x33: {  	_ =	swait.ge [sflag:s28], $0x2800  }
0x34: {  	[sflag:s28] =	ssyncset.done $0x0  }
0x35: {  	s14 =	rddreg [dreg:$0xb];
	[sflag:s28] =	ssyncadd.s32 $0xFFFFD800  }
0x36: {  	[spmem:s14] =	stream.linear.scatter [tilespmem:s26], [sflag:$0x7], $0x2800, $0x38;
	[tilespmem:$0x1FA80] =	vst v63  }
0x37: {  	_ =	swait.ge [sflag:s28], $0x2800  }
0x38: {  	[sflag:s28] =	ssyncset.done $0x0  }
0x39: {  	s15 =	rddreg [dreg:$0xc];
	[sflag:s28] =	ssyncadd.s32 $0xFFFFD800  }
0x3a: {  	[spmem:s15] =	stream.linear.scatter [tilespmem:s26], [sflag:$0x7], $0x2800, $0x38;
	[tilespmem:$0x1FA80] =	vst v63  }
0x3b: {  	_ =	swait.ge [sflag:s28], $0x2800  }
0x3c: {  	[sflag:s28] =	ssyncset.done $0x0  }
0x3d: {  	s16 =	rddreg [dreg:$0xd];
	[sflag:s28] =	ssyncadd.s32 $0xFFFFD800  }
0x3e: {  	[spmem:s16] =	stream.linear.scatter [tilespmem:s26], [sflag:$0x7], $0x2800, $0x38;
	[tilespmem:$0x1FA80] =	vst v63  }
0x3f: {  	_ =	swait.ge [sflag:s28], $0x2800  }
0x40: {  	[sflag:s28] =	ssyncset.done $0x0  }
0x41: {  	s14 =	rddreg [dreg:$0xe];
	[sflag:s28] =	ssyncadd.s32 $0xFFFFD800  }
0x42: {  	[spmem:s14] =	stream.linear.scatter [tilespmem:s26], [sflag:$0x7], $0x2800, $0x38;
	[tilespmem:$0x1FA80] =	vst v63  }
0x43: {  	_ =	swait.ge [sflag:s28], $0x2800  }
0x44: {  	[sflag:s28] =	ssyncset.done $0x0  }
0x45: {  	s15 =	rddreg [dreg:$0xf];
	[sflag:s28] =	ssyncadd.s32 $0xFFFFD800  }
0x46: {  	[spmem:s15] =	stream.linear.scatter [tilespmem:s26], [sflag:$0x7], $0x2800, $0x38;
	[tilespmem:$0x1FA80] =	vst v63  }
0x47: {  	_ =	swait.ge [sflag:s28], $0x2800  }
0x48: {  	[sflag:s28] =	ssyncset.done $0x0  }
0x49: {  	[sflag:s28] =	ssyncadd.s32 $0xFFFFD800  }
0x4a: {  	[spmem:s17] =	stream.linear.scatter [tilespmem:s26], [sflag:$0x7], $0x2800, $0x38;
	[tilespmem:$0x1FA80] =	vst v63  }
0x4b: {  	_ =	swait.ge [sflag:s28], $0x2800  }
0x4c: {  	[sflag:s28] =	ssyncset.done $0x0  }
0x4d: {  	[sflag:s28] =	ssyncadd.s32 $0xFFFFD800  }
0x4e: {  	[spmem:s18] =	stream.linear.scatter [tilespmem:s26], [sflag:$0x7], $0x2800, $0x38;
	[tilespmem:$0x1FA80] =	vst v63  }
0x4f: {  	_ =	swait.ge [sflag:s28], $0x2800  }
0x50: {  	[sflag:s28] =	ssyncset.done $0x0  }
0x51: {  	[sflag:s28] =	ssyncadd.s32 $0xFFFFD800  }
0x52: {  	[spmem:s19] =	stream.linear.scatter [tilespmem:s26], [sflag:$0x7], $0x80, $0x38;
	[tilespmem:$0x1FA80] =	vst v63  }
0x53: {  	_ =	swait.ge [sflag:s28], $0x80  }
0x54: {  	[sflag:s28] =	ssyncset.done $0x0  }
0x55: {  	[sflag:s28] =	ssyncadd.s32 $0xFFFFFF80  }
0x56: {  	[spmem:s20] =	stream.linear.scatter [tilespmem:s26], [sflag:$0x7], $0x80, $0x38;
	[tilespmem:$0x1FA80] =	vst v63  }
0x57: {  	_ =	swait.ge [sflag:s28], $0x80  }
0x58: {  	[sflag:s28] =	ssyncset.done $0x0  }
0x59: {  	[sflag:s28] =	ssyncadd.s32 $0xFFFFFF80  }
0x5a: {  	[spmem:s21] =	stream.linear.scatter [tilespmem:s26], [sflag:$0x7], $0x80, $0x38;
	[tilespmem:$0x1FA80] =	vst v63  }
0x5b: {  	_ =	swait.ge [sflag:s28], $0x80  }
0x5c: {  	[sflag:s28] =	ssyncset.done $0x0  }
0x5d: {  	[sflag:s28] =	ssyncadd.s32 $0xFFFFFF80  }
0x5e: {  	[spmem:s22] =	stream.linear.scatter [tilespmem:s26], [sflag:$0x7], $0x80, $0x38;
	[tilespmem:$0x1FA80] =	vst v63  }
0x5f: {  	_ =	swait.ge [sflag:s28], $0x80  }
0x60: {  	[sflag:s28] =	ssyncset.done $0x0  }
0x61: {  	[sflag:s28] =	ssyncadd.s32 $0xFFFFFF80  }
0x62: {  	[spmem:s23] =	stream.linear.scatter [tilespmem:s26], [sflag:$0x7], $0x80, $0x38;
	[tilespmem:$0x1FA80] =	vst v63  }
0x63: {  	_ =	swait.ge [sflag:s28], $0x80  }
0x64: {  	[sflag:s28] =	ssyncset.done $0x0  }
0x65: {  	[sflag:s28] =	ssyncadd.s32 $0xFFFFFF80  }
0x66: {  	[tilespmem:$0xB780] =	vst v1  }
0x67: {  	[tilespmem:$0xB790] =	vst v1  }
0x68: {  	[tilespmem:$0xB7A0] =	vst v1  }
0x69: {  	[tilespmem:$0xB7B0] =	vst v1  }
0x6a: {  	[tilespmem:$0xB7C0] =	vst v1  }
0x6b: {  	_ =	swait.ge [sflag:s29], $0x2710  }
0x6c: {  	[sflag:s29] =	ssyncset.done $0x0  }
0x6d: {  	[sflag:s29] =	ssyncadd.s32 $0xFFFFD8F0  }
0x6e: {  	_ =	swait.ge [sflag:s30], $0x3E80  }
0x6f: {  	[sflag:s30] =	ssyncset.done $0x0  }
0x70: {  	[sflag:s30] =	ssyncadd.s32 $0xFFFFC180  }
0x71: {  	s16 =	simm.s32 $0x0;
	[bflag:$0x0] =	sbarrier.arrive $0xFFFF  }
0x72: {  	[tilespmem:s26], [sflag:$0x1] =	stream.indirect.gather [hbm4b:s0+s31], $0x80, s16, s31, $0xb8;
	[tilespmem:$0x1FA80] =	vst v63  }
0x73: {  	_ = 	snop  }
0x74: {  	[tilespmem:s2], [sflag:$0x2] =	stream.indirect.gather [hbm4b:s0+s31], $0x80, s31, s31, $0xb8;
	[tilespmem:$0x1FA80] =	vst v63  }
0x75: {  	_ =	swait.ge [sflag:s24], $0x2800  }
0x76: {  	[sflag:s24] =	ssyncset.done $0x0  }
0x77: {  	s14 =	simm.s32 $0x2780;
	[sflag:s24] =	ssyncadd.s32 $0xFFFFD800  }
0x78: {  	[spmem:s3] =	stream.indirect.scatter.add.f32 [tilespmem:s26], [sflag:$0x3], $0x80, s14, s31, $0xb8;
	[tilespmem:$0x1FA80] =	vst v63  }
0x79: {  	_ = 	snop  }
0x7a: {  	[spmem:s4] =	stream.indirect.scatter.add.f32 [tilespmem:s1], [sflag:$0x5], $0x1, s14, s31, $0xb8;
	[tilespmem:$0x1FA80] =	vst v63  }
0x7b: {  	_ =	swait.ge [sflag:s30], $0x2800  }
0x7c: {  	[sflag:s30] =	ssyncset.done $0x0  }
0x7d: {  	[sflag:s30] =	ssyncadd.s32 $0xFFFFD800  }
0x7e: {  	_ =	swait.ge [sflag:s5], $0x50  }
0x7f: {  	[sflag:s5] =	ssyncset.done $0x0  }
0x80: {  	s15 =	simm.s32 $0xA0;
	[sflag:s5] =	ssyncadd.s32 $0xFFFFFFB0  }
0x81: {  	[tilespmem:s26], [sflag:$0x1] =	stream.indirect.gather [hbm4b:s0+s31], $0x80, s15, s31, $0xb8;
	[tilespmem:$0x1FA80] =	vst v63  }
0x82: {  	_ =	swait.ge [sflag:s29], $0x2800  }
0x83: {  	[sflag:s29] =	ssyncset.done $0x0  }
0x84: {  	s16 =	simm.s32 $0x2800;
	[sflag:s29] =	ssyncadd.s32 $0xFFFFD800  }
0x85: {  	[spmem:s3] =	stream.indirect.scatter.add.f32 [tilespmem:s2], [sflag:$0x4], $0x80, s16, s31, $0xb8;
	[tilespmem:$0x1FA80] =	vst v63  }
0x86: {  	_ = 	snop  }
0x87: {  	[spmem:s4] =	stream.indirect.scatter.add.f32 [tilespmem:s1], [sflag:$0x6], $0x1, s16, s31, $0xb8;
	[tilespmem:$0x1FA80] =	vst v63  }
0x88: {  	_ =	swait.ge [sflag:s6], $0x2800  }
0x89: {  	[sflag:s6] =	ssyncset.done $0x0  }
0x8a: {  	[sflag:s6] =	ssyncadd.s32 $0xFFFFD800  }
0x8b: {  	_ =	swait.ge [sflag:s7], $0x50  }
0x8c: {  	s13 =	simm.s32 $0x140;
	[sflag:s7] =	ssyncset.done $0x0  }
0x8d: {  	s14 =	simm.s32 $0x400;
	s15 =	simm.s32 $0xF0;
	[sflag:s7] =	ssyncadd.s32 $0xFFFFFFB0  }
.LBB2_4:
0x8e: {  	[tilespmem:s2], [sflag:$0x2] =	stream.indirect.gather [hbm4b:s0+s31], $0x80, s15, s31, $0xb8;
	[tilespmem:$0x1FA80] =	vst v63  }
0x8f: {  	s15 =	smov.u32 s14  }
0x90: {  	p0 =	sne.s32 s14, $0xF000;
	s14 =	sadd.s32 $0x400, s14;
	_ =	swait.ge [sflag:s24], $0x2800  }
0x91: {  	s15 =	sshra.s32 s15, $0x2;
	[sflag:s24] =	ssyncset.done $0x0  }
0x92: {  	s16 =	sadd.s32 $0x2780, s15;
	[sflag:s24] =	ssyncadd.s32 $0xFFFFD800  }
0x93: {  	[spmem:s3] =	stream.indirect.scatter.add.f32 [tilespmem:s26], [sflag:$0x3], $0x80, s16, s31, $0xb8;
	[tilespmem:$0x1FA80] =	vst v63  }
0x94: {  	_ = 	snop  }
0x95: {  	[spmem:s4] =	stream.indirect.scatter.add.f32 [tilespmem:s1], [sflag:$0x5], $0x1, s16, s31, $0xb8;
	[tilespmem:$0x1FA80] =	vst v63  }
0x96: {  	_ =	swait.ge [sflag:s30], $0x2800  }
0x97: {  	[sflag:s30] =	ssyncset.done $0x0  }
0x98: {  	[sflag:s30] =	ssyncadd.s32 $0xFFFFD800  }
0x99: {  	_ =	swait.ge [sflag:s5], $0x50  }
0x9a: {  	[sflag:s5] =	ssyncset.done $0x0  }
0x9b: {  	[sflag:s5] =	ssyncadd.s32 $0xFFFFFFB0  }
0x9c: {  	[tilespmem:s26], [sflag:$0x1] =	stream.indirect.gather [hbm4b:s0+s31], $0x80, s13, s31, $0xb8;
	[tilespmem:$0x1FA80] =	vst v63  }
0x9d: {  	_ =	swait.ge [sflag:s29], $0x2800  }
0x9e: {  	[sflag:s29] =	ssyncset.done $0x0  }
0x9f: {  	s15 =	sadd.s32 $0x2800, s15;
	[sflag:s29] =	ssyncadd.s32 $0xFFFFD800  }
0xa0: {  	[spmem:s3] =	stream.indirect.scatter.add.f32 [tilespmem:s2], [sflag:$0x4], $0x80, s15, s31, $0xb8;
	[tilespmem:$0x1FA80] =	vst v63  }
0xa1: {  	_ = 	snop  }
0xa2: {  	[spmem:s4] =	stream.indirect.scatter.add.f32 [tilespmem:s1], [sflag:$0x6], $0x1, s15, s31, $0xb8;
	[tilespmem:$0x1FA80] =	vst v63  }
0xa3: {  	_ =	swait.ge [sflag:s6], $0x2800  }
.Ltmp1:
0xa4: {  	[sflag:s6] =	ssyncset.done $0x0;
	(pc) =	sbr.rel @p0 .LBB2_4-.Ltmp1, $4  }
0xa5: {  	[sflag:s6] =	ssyncadd.s32 $0xFFFFD800  }
0xa6: {  	_ =	swait.ge [sflag:s7], $0x50  }
0xa7: {  	[sflag:s7] =	ssyncset.done $0x0  }
0xa8: {  	s15 =	sadd.s32 $0x50, s13;
	s13 =	sadd.s32 $0xA0, s13;
	[sflag:s7] =	ssyncadd.s32 $0xFFFFFFB0  }
0xa9: {  	[tilespmem:s2], [sflag:$0x2] =	stream.indirect.gather [hbm4b:s0+s31], $0x80, s15, s31, $0xb8;
	[tilespmem:$0x1FA80] =	vst v63  }
0xaa: {  	_ =	swait.ge [sflag:s24], $0x2800  }
0xab: {  	[sflag:s24] =	ssyncset.done $0x0  }
0xac: {  	[sflag:s24] =	ssyncadd.s32 $0xFFFFD800  }
0xad: {  	[spmem:s3] =	stream.indirect.scatter.add.f32 [tilespmem:s26], [sflag:$0x3], $0x80, s8, s31, $0xb8;
	[tilespmem:$0x1FA80] =	vst v63  }
0xae: {  	_ = 	snop  }
0xaf: {  	[spmem:s4] =	stream.indirect.scatter.add.f32 [tilespmem:s1], [sflag:$0x5], $0x1, s8, s31, $0xb8;
	[tilespmem:$0x1FA80] =	vst v63  }
0xb0: {  	_ =	swait.ge [sflag:s30], $0x2800  }
0xb1: {  	[sflag:s30] =	ssyncset.done $0x0  }
0xb2: {  	[sflag:s30] =	ssyncadd.s32 $0xFFFFD800  }
0xb3: {  	_ =	swait.ge [sflag:s5], $0x50  }
0xb4: {  	[sflag:s5] =	ssyncset.done $0x0  }
0xb5: {  	[sflag:s5] =	ssyncadd.s32 $0xFFFFFFB0  }
0xb6: {  	[tilespmem:s26], [sflag:$0x1] =	stream.indirect.gather [hbm4b:s0+s31], $0x80, s13, s31, $0xb8;
	[tilespmem:$0x1FA80] =	vst v63  }
0xb7: {  	_ =	swait.ge [sflag:s29], $0x2800  }
0xb8: {  	[sflag:s29] =	ssyncset.done $0x0  }
0xb9: {  	[sflag:s29] =	ssyncadd.s32 $0xFFFFD800  }
0xba: {  	[spmem:s3] =	stream.indirect.scatter.add.f32 [tilespmem:s2], [sflag:$0x4], $0x80, s10, s31, $0xb8;
	[tilespmem:$0x1FA80] =	vst v63  }
0xbb: {  	_ = 	snop  }
0xbc: {  	[spmem:s4] =	stream.indirect.scatter.add.f32 [tilespmem:s1], [sflag:$0x6], $0x1, s10, s31, $0xb8;
	[tilespmem:$0x1FA80] =	vst v63  }
0xbd: {  	_ =	swait.ge [sflag:s6], $0x2800  }
0xbe: {  	[sflag:s6] =	ssyncset.done $0x0  }
0xbf: {  	[sflag:s6] =	ssyncadd.s32 $0xFFFFD800  }
0xc0: {  	_ =	swait.ge [sflag:s7], $0x50  }
0xc1: {  	[sflag:s7] =	ssyncset.done $0x0  }
0xc2: {  	[sflag:s7] =	ssyncadd.s32 $0xFFFFFFB0  }
0xc3: {  	_ =	swait.ge [sflag:s24], $0x2800  }
0xc4: {  	[sflag:s24] =	ssyncset.done $0x0  }
0xc5: {  	[sflag:s24] =	ssyncadd.s32 $0xFFFFD800  }
0xc6: {  	[spmem:s3] =	stream.indirect.scatter.add.f32 [tilespmem:s26], [sflag:$0x3], $0x80, s11, s31, $0xb8;
	[tilespmem:$0x1FA80] =	vst v63  }
0xc7: {  	_ = 	snop  }
0xc8: {  	[spmem:s4] =	stream.indirect.scatter.add.f32 [tilespmem:s1], [sflag:$0x5], $0x1, s11, s31, $0xb8;
	[tilespmem:$0x1FA80] =	vst v63  }
0xc9: {  	_ =	swait.ge [sflag:s30], $0x2800  }
0xca: {  	[sflag:s30] =	ssyncset.done $0x0  }
0xcb: {  	[sflag:s30] =	ssyncadd.s32 $0xFFFFD800  }
0xcc: {  	_ =	swait.ge [sflag:s5], $0x50  }
0xcd: {  	[sflag:s5] =	ssyncset.done $0x0  }
0xce: {  	s15 =	stileid.u32;
	[sflag:s5] =	ssyncadd.s32 $0xFFFFFFB0  }
0xcf: {  	s13 =	sshll.u32 s15, $0x6;
	[bflag:$0x0] =	sbarrier.arrive $0xFFFF  }
0xd0: {  	s15 =	sshrl.u32 s9, $0x3;
	s14 =	sor.u32 $0x1C01, s13;
	s16 =	rddreg [dreg:$0x8]  }
0xd1: {  	[hbm:s16], [sflag:s14] =	dma.local [spmem:s15], $0x2800  }
0xd2: {  	s13 =	sor.u32 $0x1C07, s13;
	s14 =	rddreg [dreg:$0x9]  }
0xd3: {  	[hbm:s14], [sflag:s13] =	dma.local [spmem:s25], $0x50  }
0xd4: {  	_ =	swait.ge [sflag:s28], $0x50  }
0xd5: {  	[sflag:s28] =	ssyncset.done $0x0  }
0xd6: {  	[sflag:s28] =	ssyncadd.s32 $0xFFFFFFB0  }
0xd7: {  	_ =	swait.ge [sflag:s24], $0x2800  }
0xd8: {  	s12 =	sadd.s32 $0x1, s12;
	s16 =	rddreg [dreg:$0xa]  }
0xd9: {  	p0 =	sne.s32 s12, s16  }
.Ltmp2:
0xda: {  	_ = 	snop;
	(pc) =	sbr.rel @p0 .LBB2_1-.Ltmp2, $3  }
0xdb: {  	_ =	sdelay $0x1  }
0xdc: {  	[sflag:s24] =	ssyncset.done $0x0  }
0xdd: {  	[sflag:s24] =	ssyncadd.s32 $0xFFFFD800  }
0xde: {  	_ =	sfence.sel $0x180000  }
0xdf: {  	[bflag:$0x0] =	sbarrier.arrive $0xFFFF  }
0xe0: {  	_ =	strace $0x90000047  }
0xe1: {  	s0 =	stileid.u32;
	[bflag:$0x2] =	sbarrier.arrive $0xFFFF  }
0xe2: {  	p0 =	sne.s32 s0, $0x0;
	s0 =	rddreg [dreg:$0x5]  }
0xe3: {  	s0 =	sadd.s32 @!p0 $0x100000, s0  }
0xe4: {  	[sflag:s0] =	ssyncadd.tile.s32 @!p0 $0x1;
	_ =	shalt  }
.Lfunc_end2:
_tile_overlayer_lowered:
.L_overlay_start_2:
0xe5: {  	(tag) =	ssettag $0x2  }
0xe6: {  	s0 =	rddreg [dreg:$0x0];
	s2 =	stileid.u32  }
0xe7: {  	s1 =	rddreg [dreg:$0x1];
	p0 =	sne.s32 s2, $0x0  }
0xe8: {  	s3 =	rddreg [dreg:$0x2];
	[bflag:$0x3] =	sbarrier.arrive $0xFFFF;
	s2 =	simm.s32 @!p0 $0x1C07  }
0xe9: {  	[timem:s3], [sflag:s2] =	dma.local @!p0 [hbm:s0], s1  }
0xea: {  	s0 =	simm.s32 @!p0 $0x7  }
0xeb: {  	_ =	swait.ge @!p0 [sflag:s0], s1  }
0xec: {  	s1 =	ssub.s32 @!p0 $0x0, s1;
	[sflag:s0] =	ssyncset.done @!p0 $0x0  }
0xed: {  	[sflag:s0] =	ssyncadd.s32 @!p0 s1  }
0xee: {  	[bflag:$0x3] =	sbarrier.arrive $0xFFFF  }
0xef: {  	_ =	shalt  }

// kernel: kernel.9.cloned.1.call-start
scs
__scs_entry_jumppad:
0x0: {  	(pc) =	sbr.rel $0x88, $3  }
0x1: {  	(tag) =	ssettag $0x0;
	lr =	simm.s32 $0x1  }
0x2: {  	[smem:$0x3F99] =	sst lr;
	_ =	strace $0xD0000000  }
0x3: {  	_ = 	snop  }
0x4: {  	_ = 	snop  }
0x5: {  	_ = 	snop  }
0x6: {  	_ = 	snop  }
0x7: {  	_ = 	snop  }
__scs_overlays_trampoline_lowered:
0x8: {  	[smem:$0x3FA8] =	sst s0  }
0x9: {  	[smem:$0x3FA9] =	sst s1  }
0xa: {  	[smem:$0x3FAA] =	sst s2  }
0xb: {  	[smem:$0x3FAB] =	sst s3  }
0xc: {  	[smem:$0x3FAC] =	sst s4  }
0xd: {  	[smem:$0x3FAD] =	sst s5  }
0xe: {  	[smem:$0x3FAE] =	sst s6  }
0xf: {  	[smem:$0x3FAF] =	sst s7  }
0x10: {  	[smem:$0x3FB0] =	sst s8  }
0x11: {  	[smem:$0x3FB1] =	sst s9;
	s0 =	simm.s32 @!p0 $0x0  }
0x12: {  	s1 =	sld [smem:$0x3F97];
	s0 =	simm.s32 @p0 $0x1  }
0x13: {  	[smem:$0x3FB2] =	sst s0;
	s0 =	simm.s32 @!p1 $0x0  }
0x14: {  	s2 =	sld [smem:$0x3F96];
	s0 =	simm.s32 @p1 $0x1  }
0x15: {  	[smem:$0x3FB3] =	sst s0;
	s0 =	simm.s32 @!p2 $0x0  }
0x16: {  	s3 =	sld [smem:$0x3FDB];
	s0 =	simm.s32 @p2 $0x1  }
0x17: {  	s4 =	simm.s32 $0x1BF5;
	[smem:$0x3FB5] =	sst s0  }
0x18: {  	s0 =	sld [smem:$0x3F98];
	_ =	swait.ge [sflag:s4], $0x0  }
0x19: {  	s7 =	sld [smem:$0x3F99]  }
0x1a: {  	s8 =	sadd.s32 $0xFFFFE003, lr  }
0x1b: {  	s9 =	sadd.s32 $0xFFFFFEF7, lr;
	s5 =	simm.s32 $0xFFFFFFFF;
	p2 =	slt.u32 s8, $0xFFFFF086  }
0x1c: {  	p1 =	slt.u32 s9, $0xF7A;
	s5 =	simm.s32 @!p2 $0x0  }
0x1d: {  	s5 =	simm.s32 @p1 $0x1;
	p0 =	seq.s32 s7, s2  }
0x1e: {  	s7 =	smul.u32 @!p0 $0xF7A, s2;
	p2 =	seq.s32 @!p0 s5, $0x0  }
0x1f: {  	s9 =	smul.u32 $0xF7A, s1;
	s8 =	simm.s32 @!p0 $0x1BF5;
	p2 =	por !p2, p0  }
0x20: {  	[sflag:s8] =	ssyncset.s32 @!p0 $0xFFFFF086;
	s6 =	sadd.s32 @!p0 s3, s7;
	s7 =	simm.s32 @!p0 $0x108  }
0x21: {  	s3 =	sadd.s32 s3, s9;
	s6 =	sadd.s32 @!p0 $0x88, s6;
	s7 =	simm.s32 @p2 $0x1082  }
0x22: {  	[simem:s7], [sflag:s8] =	dma.local @!p0 [hbm:s6], $0xF7A  }
0x23: {  	s9 =	sor.u32 $0xD0000000, s2;
	s6 =	simm.s32 $0x108;
	_ =	swait.ge @!p0 [sflag:s8], $0x0  }
0x24: {  	s3 =	sadd.s32 $0x88, s3;
	s6 =	simm.s32 @!p1 $0x1082;
	[sflag:s4] =	ssyncset.s32 $0xFFFFF086  }
0x25: {  	[simem:s6], [sflag:s4] =	dma.local [hbm:s3], $0xF7A  }
0x26: {  	[smem:$0x3F99] =	sst s1;
	(tag) =	ssettag s2;
	_ =	strace s9  }
0x27: {  	s1 =	sld [smem:$0x3FA9]  }
0x28: {  	s2 =	sld [smem:$0x3FAA]  }
0x29: {  	s4 =	sld [smem:$0x3FAC]  }
0x2a: {  	p0 =	seq.s32 s5, $0x0;
	s5 =	sld [smem:$0x3FAD]  }
0x2b: {  	s6 =	sld [smem:$0x3FAE]  }
0x2c: {  	s7 =	sld [smem:$0x3FAF]  }
0x2d: {  	s3 =	simm.s32 $0x108;
	s8 =	sld [smem:$0x3FB0]  }
0x2e: {  	s3 =	simm.s32 @!p0 $0x1082;
	s9 =	sld [smem:$0x3FB1]  }
0x2f: {  	lr =	sadd.s32 s0, s3;
	s0 =	sld [smem:$0x3FA8]  }
0x30: {  	s3 =	sld [smem:$0x3FAB]  }
0x31: {  	[smem:$0x3FB4] =	sst s10  }
0x32: {  	s10 =	sld [smem:$0x3FB2];
	_ =	sdelay $0x3  }
0x33: {  	p0 =	seq.s32 s10, $0x1;
	s10 =	sld [smem:$0x3FB4];
	_ =	sdelay $0x3  }
0x34: {  	[smem:$0x3FB4] =	sst s10  }
0x35: {  	s10 =	sld [smem:$0x3FB3];
	_ =	sdelay $0x3  }
0x36: {  	p1 =	seq.s32 s10, $0x1;
	s10 =	sld [smem:$0x3FB4];
	_ =	sdelay $0x3  }
0x37: {  	[smem:$0x3FB4] =	sst s10  }
0x38: {  	s10 =	sld [smem:$0x3FB5]  }
0x39: {  	_ = 	snop;
	(pc) =	sbr.ind lr, $3  }
0x3a: {  	_ = 	snop  }
0x3b: {  	_ = 	snop  }
0x3c: {  	p2 =	seq.s32 s10, $0x1;
	s10 =	sld [smem:$0x3FB4]  }
0x3d: {  	_ =	shalt  }
0x3e: {  	_ =	shalt  }
0x3f: {  	_ =	shalt  }
0x40: {  	_ =	shalt  }
0x41: {  	_ =	shalt  }
0x42: {  	_ =	shalt  }
0x43: {  	_ =	shalt  }
0x44: {  	_ =	shalt  }
0x45: {  	_ =	shalt  }
0x46: {  	_ =	shalt  }
0x47: {  	_ =	shalt  }
0x48: {  	_ =	shalt  }
0x49: {  	_ =	shalt  }
0x4a: {  	_ =	shalt  }
0x4b: {  	_ =	shalt  }
0x4c: {  	_ =	shalt  }
0x4d: {  	_ =	shalt  }
0x4e: {  	_ =	shalt  }
0x4f: {  	_ =	shalt  }
0x50: {  	_ =	shalt  }
0x51: {  	_ =	shalt  }
0x52: {  	_ =	shalt  }
0x53: {  	_ =	shalt  }
0x54: {  	_ =	shalt  }
0x55: {  	_ =	shalt  }
0x56: {  	_ =	shalt  }
0x57: {  	_ =	shalt  }
0x58: {  	_ =	shalt  }
0x59: {  	_ =	shalt  }
0x5a: {  	_ =	shalt  }
0x5b: {  	_ =	shalt  }
0x5c: {  	_ =	shalt  }
0x5d: {  	_ =	shalt  }
0x5e: {  	_ =	shalt  }
0x5f: {  	_ =	shalt  }
0x60: {  	_ =	shalt  }
0x61: {  	_ =	shalt  }
0x62: {  	_ =	shalt  }
0x63: {  	_ =	shalt  }
0x64: {  	_ =	shalt  }
0x65: {  	_ =	shalt  }
0x66: {  	_ =	shalt  }
0x67: {  	_ =	shalt  }
0x68: {  	_ =	shalt  }
0x69: {  	_ =	shalt  }
0x6a: {  	_ =	shalt  }
0x6b: {  	_ =	shalt  }
0x6c: {  	_ =	shalt  }
0x6d: {  	_ =	shalt  }
0x6e: {  	_ =	shalt  }
0x6f: {  	_ =	shalt  }
0x70: {  	_ =	shalt  }
0x71: {  	_ =	shalt  }
0x72: {  	_ =	shalt  }
0x73: {  	_ =	shalt  }
0x74: {  	_ =	shalt  }
0x75: {  	_ =	shalt  }
0x76: {  	_ =	shalt  }
0x77: {  	_ =	shalt  }
0x78: {  	_ =	shalt  }
0x79: {  	_ =	shalt  }
0x7a: {  	_ =	shalt  }
0x7b: {  	_ =	shalt  }
0x7c: {  	_ =	shalt  }
0x7d: {  	_ =	shalt  }
0x7e: {  	_ =	shalt  }
0x7f: {  	_ =	shalt  }
0x80: {  	_ =	shalt  }
0x81: {  	_ =	shalt  }
0x82: {  	_ =	shalt  }
0x83: {  	_ =	shalt  }
0x84: {  	_ =	shalt  }
0x85: {  	_ =	shalt  }
0x86: {  	_ =	shalt  }
0x87: {  	_ =	shalt  }
.Lfunc_end0:
.L_simem_size_0:
called_computation.1_lowered:
.L_overlay_start_0:
0x88: {  	s2 =	sld [smem:$0x3FD9]  }
0x89: {  	s3 =	sld [smem:$0x3FFE];
	_ =	sdelay $0x1  }
0x8a: {  	s1 =	srdreg.scid  }
0x8b: {  	s0 =	sand.u32 $0x1, s1  }
0x8c: {  	s17 =	sshll.u32 s0, $0xA;
	s2 =	sadd.s32 s3, s2  }
0x8d: {  	s2 =	sadd.s32 s2, s17  }
0x8e: {  	[smem:$0x3FC0] =	sst s2  }
0x8f: {  	_ = 	snop  }
0x90: {  	s2 =	sld [smem:$0x3FD0];
	(tm) =	ssettm $0x1  }
0x91: {  	s18 =	sld [smem:$0x3FFB];
	_ =	sdelay $0x3  }
0x92: {  	_ =	strace s18  }
0x93: {  	s3 =	sld [smem:$0x3FFC];
	_ =	sdelay $0x3  }
0x94: {  	_ =	strace s3  }
0x95: {  	s3 =	sld [smem:$0x3FFD];
	_ =	sdelay $0x3  }
0x96: {  	_ =	strace s3  }
0x97: {  	_ =	strace $0x8FFFFFFF  }
0x98: {  	s19 =	sld [smem:$0x3FDB];
	_ =	sdelay $0x1  }
0x99: {  	s4 =	simm.s32 $_scs_section_size  }
0x9a: {  	s5 =	simm.s32 $_size__tile_overlayer_lowered;
	s6 =	simm.s32 $_tile_overlayer_lowered  }
0x9b: {  	s22 =	simm.s32 $0x1BFF;
	s21 =	sshll.u32 s6, $0x1;
	s3 =	sadd.s32 s4, s19  }
0x9c: {  	s7 =	simm.s32 $0x0;
	s20 =	sshll.u32 s5, $0x1;
	s5 =	sadd.s32 s21, s3  }
0x9d: {  	[timem:s7], [sflag:s22] =	dma.local [hbm:s5], s20  }
0x9e: {  	_ =	swait.ge [sflag:s22], s20  }
0x9f: {  	s4 =	ssub.s32 $0x0, s20;
	[sflag:s22] =	ssyncset.done $0x0  }
0xa0: {  	[sflag:s22] =	ssyncadd.s32 s4;
	_ =	sdelay $0x1  }
0xa1: {  	s23 =	simm.s32 $0x1B8B  }
0xa2: {  	_ =	swait.ge [sflag:s23], $0x1  }
0xa3: {  	[sflag:s23] =	ssyncset.done $0x0  }
0xa4: {  	s25 =	simm.s32 $0x1B8E;
	s24 =	sld [smem:$0x3FFE];
	[sflag:s23] =	ssyncadd.s32 $0xFFFFFFFF  }
0xa5: {  	s26 =	simm.s32 $execute0_lowered;
	[smem:$0x3FD2] =	sst s25  }
0xa6: {  	s5 =	sshll.u32 s26, $0x1;
	_ =	strace $0x80000049;
	[dreg:$0x1] =	wrdreg $0xFFFFFFFF  }
0xa7: {  	s28 =	simm.s32 $_size_execute0_lowered;
	s3 =	sadd.s32 s3, s5;
	[dreg:$0x0] =	wrdreg $0x0  }
0xa8: {  	s5 =	sshll.u32 s28, $0x1;
	[dreg:$0x2] =	wrdreg s3  }
0xa9: {  	[dreg:$0x3] =	wrdreg s5  }
0xaa: {  	[dreg:$0x4] =	wrdreg $0xC0  }
0xab: {  	_ =	task [dreg:s7], $0x5FFFF  }
0xac: {  	[dreg:$0x1] =	wrdreg $0xFFFFFFFF  }
0xad: {  	[dreg:$0x0] =	wrdreg $0x60  }
0xae: {  	[dreg:$0x2] =	wrdreg s2  }
0xaf: {  	[dreg:$0x3] =	wrdreg s24  }
0xb0: {  	[dreg:$0x4] =	wrdreg $0xB7800  }
0xb1: {  	[dreg:$0x5] =	wrdreg $0x9  }
0xb2: {  	_ =	task.clear_ibuf [dreg:s7], $0x6FFFF;
	_ =	strace $0x90000049  }
0xb3: {  	s29 =	simm.s32 $0x9;
	_ =	strace $0x8000004B  }
0xb4: {  	_ =	swait.ge [sflag:s29], $0x1  }
0xb5: {  	[sflag:s29] =	ssyncadd.s32 $0xFFFFFFFF  }
0xb6: {  	_ =	strace $0x9000004B  }
0xb7: {  	_ =	sfence  }
0xb8: {  	s30 =	sld [smem:$0x0];
	_ =	sdelay $0x2  }
0xb9: {  	s31 =	sshll.u32 s1, $0xD;
	s1 =	sshrl.u32 s1, $0x2  }
0xba: {  	s3 =	sand.u32 $0x4000, s31;
	s1 =	sadd.s32 s1, s30  }
0xbb: {  	s0 =	sor.u32 s3, s0;
	s1 =	sshll.u32 s1, $0x11  }
0xbc: {  	s0 =	sor.u32 s1, s0  }
0xbd: {  	s0 =	sadd.s32 $0x8F2B, s0  }
0xbe: {  	[sflag:s0] =	ssyncadd.remote.s32 $0x1  }
0xbf: {  	_ =	sfence.sel $0xFFFF  }
0xc0: {  	[dreg:$0x0] =	wrdreg $0xFFFFFFFF;
	(pc) =	sbr.abs _section_cstart, $3  }
0xc1: {  	[dreg:$0x1] =	wrdreg $0xFFFFFFFF  }
0xc2: {  	_ =	task.clear_ibuf [dreg:s7], $0x2FFFF;
	_ =	strace $0x9FFFFFFF  }
0xc3: {  	(tm) =	ssettm $0x7FFFFFFF  }
tec
execute0_lowered:
.L_overlay_start_1:
0x0: {  	(tag) =	ssettag $0x1  }
0x1: {  	s0 =	srdreg.scid;
	s1 =	rddreg [dreg:$0x0]  }
0x2: {  	s9 =	stileid.u32;
	s5 =	rddreg [dreg:$0x1]  }
0x3: {  	s3 =	rddreg [dreg:$0x2];
	s4 =	simm.s32 $0x0;
	s18 =	simm.s32 $0x6780  }
0x4: {  	s19 =	simm.s32 $0x5;
	s20 =	simm.s32 $0x2;
	s21 =	simm.s32 $0x3  }
0x5: {  	s22 =	simm.s32 $0x50;
	s23 =	simm.s32 $0x8F80;
	s24 =	simm.s32 $0x1  }
0x6: {  	s25 =	simm.s32 $0x4;
	s28 =	simm.s32 $0x6500;
	s29 =	simm.s32 $0x6580  }
0x7: {  	s30 =	simm.s32 $0x0;
	s0 =	sand.u32 $0x1, s0;
	s8 =	smul.u32 $0x14000, s9  }
0x8: {  	[smem:$0x7FF] =	sst s4;
	s26 =	smul.u32 $0x50000, s9;
	s2 =	sshll.u32 s0, $0x4  }
0x9: {  	s7 =	smul.u32 $0x140000, s0;
	s0 =	ssub.s32 $0x2, s0;
	s2 =	sor.u32 s9, s2  }
0xa: {  	_ =	strace $0x8000004A;
	s31 =	sshrl.u32 s0, $0x1;
	s6 =	smul.u32 $0x4E2, s2  }
0xb: {  	s2 =	sshll.u32 s2, $0xB;
	s7 =	sadd.s32 s8, s7;
	s0 =	ssub.s32 s0, s31  }
0xc: {  	s8 =	sshrl.u32 s26, $0x2;
	s26 =	simm.s32 $0x6480;
	s7 =	sshrl.u32 s7, $0x3  }
0xd: {  	s2 =	sadd.s32 s2, s5;
	s8 =	sadd.s32 s8, s3;
	s9 =	smax.u32 s0, $0x1  }
0xe: {  	s6 =	sadd.s32 s6, s5;
	s7 =	sadd.s32 s7, s5;
	s10 =	sadd.s32 $0x2800, s8  }
0xf: {  	s11 =	sadd.s32 $0x5000, s8;
	s12 =	sadd.s32 $0x7800, s8;
	s13 =	sadd.s32 $0xA000, s8  }
0x10: {  	s14 =	sadd.s32 $0xC800, s8;
	s15 =	sadd.s32 $0xF000, s8;
	s16 =	sadd.s32 $0x11800, s8  }
0x11: {  	v0 =	vimm.f32 $0.0e+00;
	s5 =	sadd.s32 $0x2000, s6;
	s6 =	sadd.s32 $0xBE00, s2;
	s7 =	sadd.s32 $0x1BE00, s7  }
.LBB2_1:
0x12: {  	[tilespmem:s4], [sflag:$0x2] =	stream.linear.gather [hbm4b:s5+s4], $0x2710, $0x38;
	[tilespmem:$0x1F780] =	vst v63  }
0x13: {  	s0 =	simm.s32 $0x2780;
	s2 =	simm.s32 $0x0;
	s31 =	simm.s32 $0x200  }
0x14: {  	[tilespmem:s0], [sflag:$0x3] =	stream.linear.gather [hbm4b:s6+s4], $0x3E80, $0x38;
	[tilespmem:$0x1F780] =	vst v63  }
.LBB2_2:
0x15: {  	p0 =	sne.s32 s31, $0x9E00;
	[tilespmem:s2+$0x67F0] =	vst v0  }
0x16: {  	[tilespmem:s2+$0x6780] =	vst v0  }
0x17: {  	[tilespmem:s2+$0x6790] =	vst v0  }
.Ltmp0:
0x18: {  	[tilespmem:s2+$0x67A0] =	vst v0;
	(pc) =	sbr.rel @p0 .LBB2_2-.Ltmp0, $4  }
0x19: {  	[tilespmem:s2+$0x67B0] =	vst v0  }
0x1a: {  	[tilespmem:s2+$0x67C0] =	vst v0  }
0x1b: {  	[tilespmem:s2+$0x67D0] =	vst v0  }
0x1c: {  	[tilespmem:s2+$0x67E0] =	vst v0;
	s2 =	sshra.s32 s31, $0x2;
	s31 =	sadd.s32 $0x200, s31  }
0x1d: {  	[tilespmem:s2+$0x67F0] =	vst v0  }
0x1e: {  	[tilespmem:s2+$0x6780] =	vst v0  }
0x1f: {  	[tilespmem:s2+$0x6790] =	vst v0  }
0x20: {  	[tilespmem:s2+$0x67A0] =	vst v0  }
0x21: {  	[tilespmem:s2+$0x67B0] =	vst v0  }
0x22: {  	[tilespmem:s2+$0x67C0] =	vst v0  }
0x23: {  	[tilespmem:s2+$0x67D0] =	vst v0  }
0x24: {  	[tilespmem:s2+$0x67E0] =	vst v0  }
0x25: {  	[spmem:s8] =	stream.linear.scatter [tilespmem:s18], [sflag:$0x5], $0x2800, $0x38;
	[tilespmem:$0x1F780] =	vst v63  }
0x26: {  	_ =	swait.ge [sflag:s19], $0x2800  }
0x27: {  	[sflag:s19] =	ssyncset.done $0x0  }
0x28: {  	[sflag:s19] =	ssyncadd.s32 $0xFFFFD800  }
0x29: {  	[spmem:s10] =	stream.linear.scatter [tilespmem:s18], [sflag:$0x5], $0x2800, $0x38;
	[tilespmem:$0x1F780] =	vst v63  }
0x2a: {  	_ =	swait.ge [sflag:s19], $0x2800  }
0x2b: {  	[sflag:s19] =	ssyncset.done $0x0  }
0x2c: {  	[sflag:s19] =	ssyncadd.s32 $0xFFFFD800  }
0x2d: {  	[spmem:s11] =	stream.linear.scatter [tilespmem:s18], [sflag:$0x5], $0x2800, $0x38;
	[tilespmem:$0x1F780] =	vst v63  }
0x2e: {  	_ =	swait.ge [sflag:s19], $0x2800  }
0x2f: {  	[sflag:s19] =	ssyncset.done $0x0  }
0x30: {  	[sflag:s19] =	ssyncadd.s32 $0xFFFFD800  }
0x31: {  	[spmem:s12] =	stream.linear.scatter [tilespmem:s18], [sflag:$0x5], $0x2800, $0x38;
	[tilespmem:$0x1F780] =	vst v63  }
0x32: {  	_ =	swait.ge [sflag:s19], $0x2800  }
0x33: {  	[sflag:s19] =	ssyncset.done $0x0  }
0x34: {  	[sflag:s19] =	ssyncadd.s32 $0xFFFFD800  }
0x35: {  	[spmem:s13] =	stream.linear.scatter [tilespmem:s18], [sflag:$0x5], $0x2800, $0x38;
	[tilespmem:$0x1F780] =	vst v63  }
0x36: {  	_ =	swait.ge [sflag:s19], $0x2800  }
0x37: {  	[sflag:s19] =	ssyncset.done $0x0  }
0x38: {  	[sflag:s19] =	ssyncadd.s32 $0xFFFFD800  }
0x39: {  	[spmem:s14] =	stream.linear.scatter [tilespmem:s18], [sflag:$0x5], $0x2800, $0x38;
	[tilespmem:$0x1F780] =	vst v63  }
0x3a: {  	_ =	swait.ge [sflag:s19], $0x2800  }
0x3b: {  	[sflag:s19] =	ssyncset.done $0x0  }
0x3c: {  	[sflag:s19] =	ssyncadd.s32 $0xFFFFD800  }
0x3d: {  	[spmem:s15] =	stream.linear.scatter [tilespmem:s18], [sflag:$0x5], $0x2800, $0x38;
	[tilespmem:$0x1F780] =	vst v63  }
0x3e: {  	_ =	swait.ge [sflag:s19], $0x2800  }
0x3f: {  	[sflag:s19] =	ssyncset.done $0x0  }
0x40: {  	[sflag:s19] =	ssyncadd.s32 $0xFFFFD800  }
0x41: {  	[spmem:s16] =	stream.linear.scatter [tilespmem:s18], [sflag:$0x5], $0x2800, $0x38;
	[tilespmem:$0x1F780] =	vst v63  }
0x42: {  	_ =	swait.ge [sflag:s19], $0x2800  }
0x43: {  	[sflag:s19] =	ssyncset.done $0x0  }
0x44: {  	[sflag:s19] =	ssyncadd.s32 $0xFFFFD800  }
0x45: {  	_ =	swait.ge [sflag:s20], $0x2710  }
0x46: {  	[sflag:s20] =	ssyncset.done $0x0  }
0x47: {  	[sflag:s20] =	ssyncadd.s32 $0xFFFFD8F0  }
0x48: {  	_ =	swait.ge [sflag:s21], $0x3E80  }
0x49: {  	[sflag:s21] =	ssyncset.done $0x0  }
0x4a: {  	[sflag:s21] =	ssyncadd.s32 $0xFFFFC180  }
0x4b: {  	s0 =	simm.s32 $0x0;
	[bflag:$0x0] =	sbarrier.arrive $0xFFFF  }
0x4c: {  	[tilespmem:s18], [sflag:$0x1] =	stream.indirect.gather [hbm4b:s1+s22], $0x80, s0, s22, $0xb8;
	[tilespmem:$0x1F780] =	vst v63  }
0x4d: {  	_ = 	snop  }
0x4e: {  	[tilespmem:s23], [sflag:$0x2] =	stream.indirect.gather [hbm4b:s1+s22], $0x80, s22, s22, $0xb8;
	[tilespmem:$0x1F780] =	vst v63  }
0x4f: {  	_ =	swait.ge [sflag:s24], $0x2800  }
0x50: {  	[sflag:s24] =	ssyncset.done $0x0  }
0x51: {  	s17 =	simm.s32 $0x2780;
	[sflag:s24] =	ssyncadd.s32 $0xFFFFD800  }
0x52: {  	[spmem:s3] =	stream.indirect.scatter.add.f32 [tilespmem:s18], [sflag:$0x3], $0x80, s17, s22, $0xb8;
	[tilespmem:$0x1F780] =	vst v63  }
0x53: {  	_ =	swait.ge [sflag:s21], $0x2800  }
0x54: {  	[sflag:s21] =	ssyncset.done $0x0  }
0x55: {  	s2 =	simm.s32 $0xA0;
	[sflag:s21] =	ssyncadd.s32 $0xFFFFD800  }
0x56: {  	[tilespmem:s18], [sflag:$0x1] =	stream.indirect.gather [hbm4b:s1+s22], $0x80, s2, s22, $0xb8;
	[tilespmem:$0x1F780] =	vst v63  }
0x57: {  	_ =	swait.ge [sflag:s20], $0x2800  }
0x58: {  	[sflag:s20] =	ssyncset.done $0x0  }
0x59: {  	s17 =	simm.s32 $0x2800;
	[sflag:s20] =	ssyncadd.s32 $0xFFFFD800  }
0x5a: {  	[spmem:s3] =	stream.indirect.scatter.add.f32 [tilespmem:s23], [sflag:$0x4], $0x80, s17, s22, $0xb8;
	[tilespmem:$0x1F780] =	vst v63  }
0x5b: {  	_ =	swait.ge [sflag:s25], $0x2800  }
0x5c: {  	s31 =	simm.s32 $0x140;
	[sflag:s25] =	ssyncset.done $0x0  }
0x5d: {  	s0 =	simm.s32 $0xF0;
	s2 =	simm.s32 $0x400;
	[sflag:s25] =	ssyncadd.s32 $0xFFFFD800  }
.LBB2_4:
0x5e: {  	[tilespmem:s23], [sflag:$0x2] =	stream.indirect.gather [hbm4b:s1+s22], $0x80, s0, s22, $0xb8;
	[tilespmem:$0x1F780] =	vst v63  }
0x5f: {  	s0 =	smov.u32 s2  }
0x60: {  	p0 =	sne.s32 s2, $0xF000;
	s2 =	sadd.s32 $0x400, s2;
	_ =	swait.ge [sflag:s24], $0x2800  }
0x61: {  	s0 =	sshra.s32 s0, $0x2;
	[sflag:s24] =	ssyncset.done $0x0  }
0x62: {  	s17 =	sadd.s32 $0x2780, s0;
	[sflag:s24] =	ssyncadd.s32 $0xFFFFD800  }
0x63: {  	[spmem:s3] =	stream.indirect.scatter.add.f32 [tilespmem:s18], [sflag:$0x3], $0x80, s17, s22, $0xb8;
	[tilespmem:$0x1F780] =	vst v63  }
0x64: {  	_ =	swait.ge [sflag:s21], $0x2800  }
0x65: {  	[sflag:s21] =	ssyncset.done $0x0  }
0x66: {  	[sflag:s21] =	ssyncadd.s32 $0xFFFFD800  }
0x67: {  	[tilespmem:s18], [sflag:$0x1] =	stream.indirect.gather [hbm4b:s1+s22], $0x80, s31, s22, $0xb8;
	[tilespmem:$0x1F780] =	vst v63  }
0x68: {  	_ =	swait.ge [sflag:s20], $0x2800  }
0x69: {  	[sflag:s20] =	ssyncset.done $0x0  }
.Ltmp1:
0x6a: {  	s0 =	sadd.s32 $0x2800, s0;
	[sflag:s20] =	ssyncadd.s32 $0xFFFFD800;
	(pc) =	sbr.rel @p0 .LBB2_4-.Ltmp1, $4  }
0x6b: {  	[spmem:s3] =	stream.indirect.scatter.add.f32 [tilespmem:s23], [sflag:$0x4], $0x80, s0, s22, $0xb8;
	[tilespmem:$0x1F780] =	vst v63  }
0x6c: {  	_ =	swait.ge [sflag:s25], $0x2800  }
0x6d: {  	[sflag:s25] =	ssyncset.done $0x0  }
0x6e: {  	s0 =	sadd.s32 $0x50, s31;
	s31 =	sadd.s32 $0xA0, s31;
	[sflag:s25] =	ssyncadd.s32 $0xFFFFD800  }
0x6f: {  	[tilespmem:s23], [sflag:$0x2] =	stream.indirect.gather [hbm4b:s1+s22], $0x80, s0, s22, $0xb8;
	[tilespmem:$0x1F780] =	vst v63  }
0x70: {  	_ =	swait.ge [sflag:s24], $0x2800  }
0x71: {  	[sflag:s24] =	ssyncset.done $0x0  }
0x72: {  	[sflag:s24] =	ssyncadd.s32 $0xFFFFD800  }
0x73: {  	[spmem:s3] =	stream.indirect.scatter.add.f32 [tilespmem:s18], [sflag:$0x3], $0x80, s26, s22, $0xb8;
	[tilespmem:$0x1F780] =	vst v63  }
0x74: {  	_ =	swait.ge [sflag:s21], $0x2800  }
0x75: {  	[sflag:s21] =	ssyncset.done $0x0  }
0x76: {  	[sflag:s21] =	ssyncadd.s32 $0xFFFFD800  }
0x77: {  	[tilespmem:s18], [sflag:$0x1] =	stream.indirect.gather [hbm4b:s1+s22], $0x80, s31, s22, $0xb8;
	[tilespmem:$0x1F780] =	vst v63  }
0x78: {  	_ =	swait.ge [sflag:s20], $0x2800  }
0x79: {  	[sflag:s20] =	ssyncset.done $0x0  }
0x7a: {  	[sflag:s20] =	ssyncadd.s32 $0xFFFFD800  }
0x7b: {  	[spmem:s3] =	stream.indirect.scatter.add.f32 [tilespmem:s23], [sflag:$0x4], $0x80, s28, s22, $0xb8;
	[tilespmem:$0x1F780] =	vst v63  }
0x7c: {  	_ =	swait.ge [sflag:s25], $0x2800  }
0x7d: {  	[sflag:s25] =	ssyncset.done $0x0  }
0x7e: {  	[sflag:s25] =	ssyncadd.s32 $0xFFFFD800  }
0x7f: {  	_ =	swait.ge [sflag:s24], $0x2800  }
0x80: {  	[sflag:s24] =	ssyncset.done $0x0  }
0x81: {  	[sflag:s24] =	ssyncadd.s32 $0xFFFFD800  }
0x82: {  	[spmem:s3] =	stream.indirect.scatter.add.f32 [tilespmem:s18], [sflag:$0x3], $0x80, s29, s22, $0xb8;
	[tilespmem:$0x1F780] =	vst v63  }
0x83: {  	s2 =	sshrl.u32 s8, $0x3;
	_ =	swait.ge [sflag:s21], $0x2800  }
0x84: {  	s30 =	sadd.s32 $0x1, s30;
	s31 =	stileid.u32;
	[sflag:s21] =	ssyncset.done $0x0  }
0x85: {  	p0 =	sne.s32 s30, s9;
	s0 =	sshll.u32 s31, $0x6;
	[sflag:s21] =	ssyncadd.s32 $0xFFFFD800  }
.Ltmp2:
0x86: {  	s0 =	sor.u32 $0x1C01, s0;
	[bflag:$0x0] =	sbarrier.arrive $0xFFFF;
	(pc) =	sbr.rel @p0 .LBB2_1-.Ltmp2, $4  }
0x87: {  	[hbm:s7], [sflag:s0] =	dma.local [spmem:s2], $0x2800  }
0x88: {  	_ =	swait.ge [sflag:s24], $0x2800  }
0x89: {  	[sflag:s24] =	ssyncset.done $0x0  }
0x8a: {  	[sflag:s24] =	ssyncadd.s32 $0xFFFFD800  }
0x8b: {  	_ =	sfence.sel $0x180000  }
0x8c: {  	[bflag:$0x0] =	sbarrier.arrive $0xFFFF  }
0x8d: {  	_ =	strace $0x9000004A  }
0x8e: {  	s0 =	stileid.u32;
	[bflag:$0x2] =	sbarrier.arrive $0xFFFF  }
0x8f: {  	p0 =	sne.s32 s0, $0x0;
	s0 =	rddreg [dreg:$0x3]  }
0x90: {  	s0 =	sadd.s32 @!p0 $0x100000, s0  }
0x91: {  	[sflag:s0] =	ssyncadd.tile.s32 @!p0 $0x1;
	_ =	shalt  }
.Lfunc_end2:
_tile_overlayer_lowered:
.L_overlay_start_2:
0x92: {  	(tag) =	ssettag $0x2  }
0x93: {  	s0 =	rddreg [dreg:$0x0];
	s2 =	stileid.u32  }
0x94: {  	s1 =	rddreg [dreg:$0x1];
	p0 =	sne.s32 s2, $0x0  }
0x95: {  	s3 =	rddreg [dreg:$0x2];
	[bflag:$0x3] =	sbarrier.arrive $0xFFFF;
	s2 =	simm.s32 @!p0 $0x1C05  }
0x96: {  	[timem:s3], [sflag:s2] =	dma.local @!p0 [hbm:s0], s1  }
0x97: {  	s0 =	simm.s32 @!p0 $0x5  }
0x98: {  	_ =	swait.ge @!p0 [sflag:s0], s1  }
0x99: {  	s1 =	ssub.s32 @!p0 $0x0, s1;
	[sflag:s0] =	ssyncset.done @!p0 $0x0  }
0x9a: {  	[sflag:s0] =	ssyncadd.s32 @!p0 s1  }
0x9b: {  	[bflag:$0x3] =	sbarrier.arrive $0xFFFF  }
0x9c: {  	_ =	shalt  }

</sc_bundles>
